<compile_context>
chip_gen: v7x
topology: tpu7x:2x2x1
jax: 0.10.2.dev20260603
libtpu: 0.0.44.dev20260713+nightly
codegen_flags: <defaults>
</compile_context>

<pallas_src>
import functools

import jax
import jax.numpy as jnp
from jax import lax
from jax.experimental import pallas as pl
from jax.experimental.pallas import tpu as pltpu
from jax.experimental.pallas import tpu_sc as plsc

NC = 2
NS = 16
K = 120
NBUF = 3
M_FAST = 144
M_SLOW = 24
FAST_CORE = 0


def _sc_scatter(x2d, idx5, zeros2d, m_fast, m_slow, fast_core, acc_rows, d):
    mesh = plsc.VectorSubcoreMesh(core_axis_name="c", subcore_axis_name="s")
    zero_rows = acc_rows // NS
    out_rows = acc_rows // NS
    nbuf = NBUF
    assert m_fast % (2 * nbuf) == 0 and m_slow % (2 * nbuf) == 0
    assert m_slow >= 2 * nbuf

    @functools.partial(
        pl.kernel,
        out_type=jax.ShapeDtypeStruct((NC, acc_rows, d), jnp.float32),
        mesh=mesh,
        scratch_types=(
            [pltpu.VMEM((K, d), jnp.float32) for _ in range(nbuf)]
            + [pltpu.VMEM((2, K), jnp.int32) for _ in range(2 * nbuf)]
            + [pltpu.VMEM_SHARED((acc_rows, d), jnp.float32)]
            + [pltpu.SemaphoreType.DMA for _ in range(4 * nbuf)]
        ),
    )
    def k(x_hbm, idx_hbm, z_hbm, part_hbm, *rest):
        bufs = rest[:nbuf]
        idxb = rest[nbuf:3 * nbuf]
        acc = rest[3 * nbuf]
        gsem = rest[3 * nbuf + 1:4 * nbuf + 1]
        ssem = rest[4 * nbuf + 1:5 * nbuf + 1]
        isem = rest[5 * nbuf + 1:]
        c = lax.axis_index("c")
        s = lax.axis_index("s")
        m_c = jnp.where(c == fast_core, m_fast, m_slow)

        zb = s * zero_rows
        pltpu.sync_copy(z_hbm.at[pl.ds(zb, zero_rows)],
                        acc.at[pl.ds(zb, zero_rows)])
        plsc.subcore_barrier()

        for ib in range(2 * nbuf):
            pltpu.async_copy(idx_hbm.at[c, s, ib], idxb[ib], isem[ib])
        for b in range(nbuf):
            pltpu.make_async_copy(
                idx_hbm.at[c, s, b], idxb[b], isem[b]).wait()
            pltpu.async_copy(x_hbm.at[idxb[b].at[0]], bufs[b], gsem[b])

        def body(i2, carry):
            j0 = i2 * 2 * nbuf
            for bb in range(2 * nbuf):
                b = bb % nbuf
                ibn = (bb + nbuf) % (2 * nbuf)
                j = j0 + bb
                pltpu.make_async_copy(
                    x_hbm.at[idxb[bb].at[0]], bufs[b], gsem[b]).wait()
                pltpu.async_copy(
                    bufs[b], acc.at[idxb[bb].at[1]], ssem[b], add=True)
                pltpu.make_async_copy(
                    bufs[b], acc.at[idxb[bb].at[1]], ssem[b]).wait()
                jn2 = jnp.minimum(j + 2 * nbuf, m_c - 1)
                pltpu.async_copy(idx_hbm.at[c, s, jn2], idxb[bb], isem[bb])
                pltpu.make_async_copy(
                    idx_hbm.at[c, s, j], idxb[ibn], isem[ibn]).wait()
                pltpu.async_copy(x_hbm.at[idxb[ibn].at[0]], bufs[b], gsem[b])
            return carry

        lax.fori_loop(0, m_c // (2 * nbuf), body, 0)
        for b in range(nbuf):
            pltpu.make_async_copy(
                x_hbm.at[idxb[b].at[0]], bufs[b], gsem[b]).wait()
        for ib in range(nbuf, 2 * nbuf):
            pltpu.make_async_copy(
                idx_hbm.at[c, s, 0], idxb[ib], isem[ib]).wait()
        plsc.subcore_barrier()
        ob = s * out_rows
        pltpu.sync_copy(acc.at[pl.ds(ob, out_rows)],
                        part_hbm.at[c, pl.ds(ob, out_rows)])

    return k(x2d, idx5, zeros2d)


def _tc_combine(part, weight, bias, n, d):
    blk = 400

    def body(p_ref, w_ref, b_ref, o_ref):
        p = p_ref[0] + p_ref[1]
        o_ref[...] = (
            jnp.dot(p, w_ref[...], preferred_element_type=jnp.float32)
            + b_ref[...]
        )

    return pl.pallas_call(
        body,
        grid=(n // blk,),
        in_specs=[
            pl.BlockSpec((NC, blk, d), lambda i: (0, i, 0)),
            pl.BlockSpec((d, d), lambda i: (0, 0)),
            pl.BlockSpec((1, d), lambda i: (0, 0)),
        ],
        out_specs=pl.BlockSpec((blk, d), lambda i: (i, 0)),
        out_shape=jax.ShapeDtypeStruct((n, d), jnp.float32),
    )(part, weight, bias.reshape(1, d))


def kernel(x, edge_index, weight, bias):
    b, n, d_in = x.shape
    d_out = weight.shape[1]
    x2d = x.reshape(n, d_in)
    ei = edge_index.astype(jnp.int32)
    row, col = ei[0], ei[1]
    e = row.shape[0]

    cap_fast = NS * M_FAST * K
    cap_slow = NS * M_SLOW * K
    e_pad = cap_fast + cap_slow
    assert e_pad >= e, (e_pad, e)
    pad = e_pad - e
    row_p = jnp.concatenate([row, jnp.zeros((pad,), jnp.int32)])
    col_p = jnp.concatenate([col, jnp.full((pad,), n, jnp.int32)])

    def grid(rp, cp, m):
        return jnp.stack([rp.reshape(NS, m, K), cp.reshape(NS, m, K)],
                         axis=2)

    g_fast = grid(row_p[:cap_fast], col_p[:cap_fast], M_FAST)
    g_slow = jnp.concatenate([
        grid(row_p[cap_fast:], col_p[cap_fast:], M_SLOW),
        jnp.zeros((NS, M_FAST - M_SLOW, 2, K), jnp.int32),
    ], axis=1)
    cores = [g_fast, g_slow] if FAST_CORE == 0 else [g_slow, g_fast]
    idx5 = jnp.stack(cores, axis=0)

    acc_rows = -(-(n + 1) // (NS * 8)) * (NS * 8)
    zeros2d = jnp.zeros((acc_rows, d_in), jnp.float32)

    part = _sc_scatter(x2d, idx5, zeros2d, M_FAST, M_SLOW, FAST_CORE,
                       acc_rows, d_in)
    assert n % 400 == 0
    out = _tc_combine(part, weight, bias, n, d_out)
    return out.reshape(b, n, d_out)

# --- scband reference (transcript-rebuilt; emitter-appended) ---
"""Pipeline reference for scband-graph-convolution-88923002897064 (READ-ONLY COPY).

The authoritative reference and input builder live on the scoring server;
editing this copy changes nothing except your own understanding.
"""

import jax, jax.numpy as jnp
import numpy as np

N_NODES = 10000
N_EDGES = 320000
D_IN = 128
D_OUT = 128
B = 1


def setup_inputs(seed: int = 0) -> dict:
    key = jax.random.key(seed)
    k_x, k_e, k_w = jax.random.split(key, 3)
    x = jax.random.normal(k_x, (B, N_NODES, D_IN), dtype=jnp.float32)
    edge_index = jax.random.randint(k_e, (2, N_EDGES), 0, N_NODES, dtype=jnp.int64)
    # xavier_uniform init for weight [in_features, out_features]
    limit = float(np.sqrt(6.0 / (D_IN + D_OUT)))
    weight = jax.random.uniform(k_w, (D_IN, D_OUT), dtype=jnp.float32, minval=-limit, maxval=limit)
    bias = jnp.zeros((D_OUT,), dtype=jnp.float32)
    return {"x": x, "edge_index": edge_index, "weight": weight, "bias": bias}


def reference(x, edge_index, weight, bias):
    # support = x @ W  -> [B, N, D_OUT]
    support = jnp.matmul(x, weight)
    row = edge_index[0]
    col = edge_index[1]
    # gather messages from source nodes: [B, E, D_OUT]
    gathered = support[:, row, :]
    # scatter-add into destination nodes (index_add_ over dim 0 per batch)
    out = jnp.zeros_like(support).at[:, col, :].add(gathered)
    out = out + bias
    return out


if False:  # reference __main__ guard neutralized (emitter)
    inp = setup_inputs()
    o = reference(**inp)
    print(o.shape, o.dtype)

if __name__ == "__main__":
    import jax
    _d = setup_inputs()
    print(jax.jit(kernel)(*tuple(_d.values())))

</pallas_src>

<mosaic_0001>
#map = affine_map<(d0, d1) -> (0, 0)>
#map1 = affine_map<(d0, d1) -> (0, 0, 0, 0, 0)>
#map2 = affine_map<(d0, d1) -> (0, 0, 0)>
module attributes {stable_mosaic.version = 14 : i64} {
  func.func @k(%arg0: i32, %arg1: i32, %arg2: memref<10000x128xf32, #tpu.memory_space<hbm>>, %arg3: memref<2x16x144x2x120xi32, #tpu.memory_space<hbm>>, %arg4: memref<10112x128xf32, #tpu.memory_space<hbm>>, %arg5: memref<2x10112x128xf32, #tpu.memory_space<hbm>>, %arg6: memref<120x128xf32, #tpu.memory_space<vmem>>, %arg7: memref<120x128xf32, #tpu.memory_space<vmem>>, %arg8: memref<120x128xf32, #tpu.memory_space<vmem>>, %arg9: memref<2x120xi32, #tpu.memory_space<vmem>>, %arg10: memref<2x120xi32, #tpu.memory_space<vmem>>, %arg11: memref<2x120xi32, #tpu.memory_space<vmem>>, %arg12: memref<2x120xi32, #tpu.memory_space<vmem>>, %arg13: memref<2x120xi32, #tpu.memory_space<vmem>>, %arg14: memref<2x120xi32, #tpu.memory_space<vmem>>, %arg15: memref<10112x128xf32, #tpu.memory_space<vmem_shared>>, %arg16: memref<!tpu.dma_semaphore, #tpu.memory_space<semaphore_mem>>, %arg17: memref<!tpu.dma_semaphore, #tpu.memory_space<semaphore_mem>>, %arg18: memref<!tpu.dma_semaphore, #tpu.memory_space<semaphore_mem>>, %arg19: memref<!tpu.dma_semaphore, #tpu.memory_space<semaphore_mem>>, %arg20: memref<!tpu.dma_semaphore, #tpu.memory_space<semaphore_mem>>, %arg21: memref<!tpu.dma_semaphore, #tpu.memory_space<semaphore_mem>>, %arg22: memref<!tpu.dma_semaphore, #tpu.memory_space<semaphore_mem>>, %arg23: memref<!tpu.dma_semaphore, #tpu.memory_space<semaphore_mem>>, %arg24: memref<!tpu.dma_semaphore, #tpu.memory_space<semaphore_mem>>, %arg25: memref<!tpu.dma_semaphore, #tpu.memory_space<semaphore_mem>>, %arg26: memref<!tpu.dma_semaphore, #tpu.memory_space<semaphore_mem>>, %arg27: memref<!tpu.dma_semaphore, #tpu.memory_space<semaphore_mem>>) attributes {dimension_semantics = [#tpu.dimension_semantics<core_parallel>, #tpu.dimension_semantics<subcore_parallel>], iteration_bounds = array<i64: 2, 16>, scalar_prefetch = 0 : i64, scratch_operands = 22 : i64, tpu.core_type = #tpu.core_type<sc_vector_subcore>, window_params = [{transform_indices = #map}, {transform_indices = #map1}, {transform_indices = #map}, {transform_indices = #map2}]} {
    %eq3A = arith.constant 0 : i32
    %eq3A_0 = arith.cmpi eq, %arg0, %eq3A : i32
    %jit3A = arith.constant 144 : i32
    %jit3A_1 = arith.constant 24 : i32
    %select_n3A = arith.select %eq3A_0, %jit3A, %jit3A_1 : i32
    %mul3A = arith.constant 632 : i32
    %mul3A_2 = arith.muli %arg1, %mul3A : i32
    "tpu.region"() ({
      %run_scoped3A = tpu.sem_alloc : memref<!tpu.dma_semaphore, #tpu.memory_space<semaphore_mem>>
      %dma_start3A_181 = arith.constant 0 : i32
      %dma_start3A_182 = tpu.memref_slice %arg15[%mul3A_2, %dma_start3A_181] : memref<10112x128xf32, #tpu.memory_space<vmem_shared>> -> memref<632x128xf32, #tpu.memory_space<vmem_shared>>
      %dma_start3A_183 = arith.constant 0 : i32
      %dma_start3A_184 = tpu.memref_slice %arg4[%mul3A_2, %dma_start3A_183] : memref<10112x128xf32, #tpu.memory_space<hbm>> -> memref<632x128xf32, #tpu.memory_space<hbm>>
      tpu.enqueue_dma source(%dma_start3A_184 : memref<632x128xf32, #tpu.memory_space<hbm>>) target(%dma_start3A_182 : memref<632x128xf32, #tpu.memory_space<vmem_shared>>) target_semaphore(%run_scoped3A : memref<!tpu.dma_semaphore, #tpu.memory_space<semaphore_mem>>)
      %dma_wait3A_185 = arith.constant 0 : i32
      %dma_wait3A_186 = tpu.memref_slice %arg15[%mul3A_2, %dma_wait3A_185] : memref<10112x128xf32, #tpu.memory_space<vmem_shared>> -> memref<632x128xf32, #tpu.memory_space<vmem_shared>>
      %dma_wait3A_187 = arith.constant 0 : i32
      %dma_wait3A_188 = tpu.memref_slice %arg4[%mul3A_2, %dma_wait3A_187] : memref<10112x128xf32, #tpu.memory_space<hbm>> -> memref<632x128xf32, #tpu.memory_space<hbm>>
      tpu.wait_dma2 semaphore(%run_scoped3A : memref<!tpu.dma_semaphore, #tpu.memory_space<semaphore_mem>>) src(%dma_wait3A_188 : memref<632x128xf32, #tpu.memory_space<hbm>>) dst(%dma_wait3A_186 : memref<632x128xf32, #tpu.memory_space<vmem_shared>>)
      tpu.yield
    }) : () -> ()
    %barrier3A = arith.constant 0 : index
    tpu.barrier barrier_id(%barrier3A)
    %dma_start3A = arith.constant 0 : i32
    %dma_start3A_3 = arith.constant 0 : i32
    %dma_start3A_4 = arith.constant 0 : i32
    %dma_start3A_5 = tpu.memref_slice %arg3[%arg0, %arg1, %dma_start3A, %dma_start3A_3, %dma_start3A_4] : memref<2x16x144x2x120xi32, #tpu.memory_space<hbm>> -> memref<1x1x1x2x120xi32, #tpu.memory_space<hbm>>
    %dma_start3A_6 = tpu.memref_squeeze %dma_start3A_5 : memref<1x1x1x2x120xi32, #tpu.memory_space<hbm>> -> memref<2x120xi32, #tpu.memory_space<hbm>>
    %dma_start3A_7 = arith.constant 0 : i32
    %dma_start3A_8 = arith.constant 0 : i32
    %dma_start3A_9 = tpu.memref_slice %arg3[%arg0, %arg1, %dma_start3A, %dma_start3A_7, %dma_start3A_8] : memref<2x16x144x2x120xi32, #tpu.memory_space<hbm>> -> memref<1x1x1x2x120xi32, #tpu.memory_space<hbm>>
    %dma_start3A_10 = tpu.memref_squeeze %dma_start3A_9 : memref<1x1x1x2x120xi32, #tpu.memory_space<hbm>> -> memref<2x120xi32, #tpu.memory_space<hbm>>
    tpu.enqueue_dma source(%dma_start3A_10 : memref<2x120xi32, #tpu.memory_space<hbm>>) target(%arg9 : memref<2x120xi32, #tpu.memory_space<vmem>>) target_semaphore(%arg22 : memref<!tpu.dma_semaphore, #tpu.memory_space<semaphore_mem>>)
    %dma_start3A_11 = arith.constant 1 : i32
    %dma_start3A_12 = arith.constant 0 : i32
    %dma_start3A_13 = arith.constant 0 : i32
    %dma_start3A_14 = tpu.memref_slice %arg3[%arg0, %arg1, %dma_start3A_11, %dma_start3A_12, %dma_start3A_13] : memref<2x16x144x2x120xi32, #tpu.memory_space<hbm>> -> memref<1x1x1x2x120xi32, #tpu.memory_space<hbm>>
    %dma_start3A_15 = tpu.memref_squeeze %dma_start3A_14 : memref<1x1x1x2x120xi32, #tpu.memory_space<hbm>> -> memref<2x120xi32, #tpu.memory_space<hbm>>
    %dma_start3A_16 = arith.constant 0 : i32
    %dma_start3A_17 = arith.constant 0 : i32
    %dma_start3A_18 = tpu.memref_slice %arg3[%arg0, %arg1, %dma_start3A_11, %dma_start3A_16, %dma_start3A_17] : memref<2x16x144x2x120xi32, #tpu.memory_space<hbm>> -> memref<1x1x1x2x120xi32, #tpu.memory_space<hbm>>
    %dma_start3A_19 = tpu.memref_squeeze %dma_start3A_18 : memref<1x1x1x2x120xi32, #tpu.memory_space<hbm>> -> memref<2x120xi32, #tpu.memory_space<hbm>>
    tpu.enqueue_dma source(%dma_start3A_19 : memref<2x120xi32, #tpu.memory_space<hbm>>) target(%arg10 : memref<2x120xi32, #tpu.memory_space<vmem>>) target_semaphore(%arg23 : memref<!tpu.dma_semaphore, #tpu.memory_space<semaphore_mem>>)
    %dma_start3A_20 = arith.constant 2 : i32
    %dma_start3A_21 = arith.constant 0 : i32
    %dma_start3A_22 = arith.constant 0 : i32
    %dma_start3A_23 = tpu.memref_slice %arg3[%arg0, %arg1, %dma_start3A_20, %dma_start3A_21, %dma_start3A_22] : memref<2x16x144x2x120xi32, #tpu.memory_space<hbm>> -> memref<1x1x1x2x120xi32, #tpu.memory_space<hbm>>
    %dma_start3A_24 = tpu.memref_squeeze %dma_start3A_23 : memref<1x1x1x2x120xi32, #tpu.memory_space<hbm>> -> memref<2x120xi32, #tpu.memory_space<hbm>>
    %dma_start3A_25 = arith.constant 0 : i32
    %dma_start3A_26 = arith.constant 0 : i32
    %dma_start3A_27 = tpu.memref_slice %arg3[%arg0, %arg1, %dma_start3A_20, %dma_start3A_25, %dma_start3A_26] : memref<2x16x144x2x120xi32, #tpu.memory_space<hbm>> -> memref<1x1x1x2x120xi32, #tpu.memory_space<hbm>>
    %dma_start3A_28 = tpu.memref_squeeze %dma_start3A_27 : memref<1x1x1x2x120xi32, #tpu.memory_space<hbm>> -> memref<2x120xi32, #tpu.memory_space<hbm>>
    tpu.enqueue_dma source(%dma_start3A_28 : memref<2x120xi32, #tpu.memory_space<hbm>>) target(%arg11 : memref<2x120xi32, #tpu.memory_space<vmem>>) target_semaphore(%arg24 : memref<!tpu.dma_semaphore, #tpu.memory_space<semaphore_mem>>)
    %dma_start3A_29 = arith.constant 3 : i32
    %dma_start3A_30 = arith.constant 0 : i32
    %dma_start3A_31 = arith.constant 0 : i32
    %dma_start3A_32 = tpu.memref_slice %arg3[%arg0, %arg1, %dma_start3A_29, %dma_start3A_30, %dma_start3A_31] : memref<2x16x144x2x120xi32, #tpu.memory_space<hbm>> -> memref<1x1x1x2x120xi32, #tpu.memory_space<hbm>>
    %dma_start3A_33 = tpu.memref_squeeze %dma_start3A_32 : memref<1x1x1x2x120xi32, #tpu.memory_space<hbm>> -> memref<2x120xi32, #tpu.memory_space<hbm>>
    %dma_start3A_34 = arith.constant 0 : i32
    %dma_start3A_35 = arith.constant 0 : i32
    %dma_start3A_36 = tpu.memref_slice %arg3[%arg0, %arg1, %dma_start3A_29, %dma_start3A_34, %dma_start3A_35] : memref<2x16x144x2x120xi32, #tpu.memory_space<hbm>> -> memref<1x1x1x2x120xi32, #tpu.memory_space<hbm>>
    %dma_start3A_37 = tpu.memref_squeeze %dma_start3A_36 : memref<1x1x1x2x120xi32, #tpu.memory_space<hbm>> -> memref<2x120xi32, #tpu.memory_space<hbm>>
    tpu.enqueue_dma source(%dma_start3A_37 : memref<2x120xi32, #tpu.memory_space<hbm>>) target(%arg12 : memref<2x120xi32, #tpu.memory_space<vmem>>) target_semaphore(%arg25 : memref<!tpu.dma_semaphore, #tpu.memory_space<semaphore_mem>>)
    %dma_start3A_38 = arith.constant 4 : i32
    %dma_start3A_39 = arith.constant 0 : i32
    %dma_start3A_40 = arith.constant 0 : i32
    %dma_start3A_41 = tpu.memref_slice %arg3[%arg0, %arg1, %dma_start3A_38, %dma_start3A_39, %dma_start3A_40] : memref<2x16x144x2x120xi32, #tpu.memory_space<hbm>> -> memref<1x1x1x2x120xi32, #tpu.memory_space<hbm>>
    %dma_start3A_42 = tpu.memref_squeeze %dma_start3A_41 : memref<1x1x1x2x120xi32, #tpu.memory_space<hbm>> -> memref<2x120xi32, #tpu.memory_space<hbm>>
    %dma_start3A_43 = arith.constant 0 : i32
    %dma_start3A_44 = arith.constant 0 : i32
    %dma_start3A_45 = tpu.memref_slice %arg3[%arg0, %arg1, %dma_start3A_38, %dma_start3A_43, %dma_start3A_44] : memref<2x16x144x2x120xi32, #tpu.memory_space<hbm>> -> memref<1x1x1x2x120xi32, #tpu.memory_space<hbm>>
    %dma_start3A_46 = tpu.memref_squeeze %dma_start3A_45 : memref<1x1x1x2x120xi32, #tpu.memory_space<hbm>> -> memref<2x120xi32, #tpu.memory_space<hbm>>
    tpu.enqueue_dma source(%dma_start3A_46 : memref<2x120xi32, #tpu.memory_space<hbm>>) target(%arg13 : memref<2x120xi32, #tpu.memory_space<vmem>>) target_semaphore(%arg26 : memref<!tpu.dma_semaphore, #tpu.memory_space<semaphore_mem>>)
    %dma_start3A_47 = arith.constant 5 : i32
    %dma_start3A_48 = arith.constant 0 : i32
    %dma_start3A_49 = arith.constant 0 : i32
    %dma_start3A_50 = tpu.memref_slice %arg3[%arg0, %arg1, %dma_start3A_47, %dma_start3A_48, %dma_start3A_49] : memref<2x16x144x2x120xi32, #tpu.memory_space<hbm>> -> memref<1x1x1x2x120xi32, #tpu.memory_space<hbm>>
    %dma_start3A_51 = tpu.memref_squeeze %dma_start3A_50 : memref<1x1x1x2x120xi32, #tpu.memory_space<hbm>> -> memref<2x120xi32, #tpu.memory_space<hbm>>
    %dma_start3A_52 = arith.constant 0 : i32
    %dma_start3A_53 = arith.constant 0 : i32
    %dma_start3A_54 = tpu.memref_slice %arg3[%arg0, %arg1, %dma_start3A_47, %dma_start3A_52, %dma_start3A_53] : memref<2x16x144x2x120xi32, #tpu.memory_space<hbm>> -> memref<1x1x1x2x120xi32, #tpu.memory_space<hbm>>
    %dma_start3A_55 = tpu.memref_squeeze %dma_start3A_54 : memref<1x1x1x2x120xi32, #tpu.memory_space<hbm>> -> memref<2x120xi32, #tpu.memory_space<hbm>>
    tpu.enqueue_dma source(%dma_start3A_55 : memref<2x120xi32, #tpu.memory_space<hbm>>) target(%arg14 : memref<2x120xi32, #tpu.memory_space<vmem>>) target_semaphore(%arg27 : memref<!tpu.dma_semaphore, #tpu.memory_space<semaphore_mem>>)
    %dma_wait3A = arith.constant 0 : i32
    %dma_wait3A_56 = arith.constant 0 : i32
    %dma_wait3A_57 = arith.constant 0 : i32
    %dma_wait3A_58 = tpu.memref_slice %arg3[%arg0, %arg1, %dma_wait3A, %dma_wait3A_56, %dma_wait3A_57] : memref<2x16x144x2x120xi32, #tpu.memory_space<hbm>> -> memref<1x1x1x2x120xi32, #tpu.memory_space<hbm>>
    %dma_wait3A_59 = tpu.memref_squeeze %dma_wait3A_58 : memref<1x1x1x2x120xi32, #tpu.memory_space<hbm>> -> memref<2x120xi32, #tpu.memory_space<hbm>>
    %dma_wait3A_60 = arith.constant 0 : i32
    %dma_wait3A_61 = arith.constant 0 : i32
    %dma_wait3A_62 = tpu.memref_slice %arg3[%arg0, %arg1, %dma_wait3A, %dma_wait3A_60, %dma_wait3A_61] : memref<2x16x144x2x120xi32, #tpu.memory_space<hbm>> -> memref<1x1x1x2x120xi32, #tpu.memory_space<hbm>>
    %dma_wait3A_63 = tpu.memref_squeeze %dma_wait3A_62 : memref<1x1x1x2x120xi32, #tpu.memory_space<hbm>> -> memref<2x120xi32, #tpu.memory_space<hbm>>
    tpu.wait_dma2 semaphore(%arg22 : memref<!tpu.dma_semaphore, #tpu.memory_space<semaphore_mem>>) src(%dma_wait3A_63 : memref<2x120xi32, #tpu.memory_space<hbm>>) dst(%arg9 : memref<2x120xi32, #tpu.memory_space<vmem>>)
    %dma_start3A_64 = arith.constant 0 : i32
    %dma_start3A_65 = arith.constant 0 : i32
    %dma_start3A_66 = tpu.memref_slice %arg9[%dma_start3A_64, %dma_start3A_65] : memref<2x120xi32, #tpu.memory_space<vmem>> -> memref<1x120xi32, #tpu.memory_space<vmem>>
    %dma_start3A_67 = tpu.memref_squeeze %dma_start3A_66 : memref<1x120xi32, #tpu.memory_space<vmem>> -> memref<120xi32, #tpu.memory_space<vmem>>
    %dma_start3A_68 = arith.constant 0 : i32
    %dma_start3A_69 = arith.constant 0 : i32
    %dma_start3A_70 = tpu.memref_slice %arg2[%dma_start3A_68, %dma_start3A_69] : memref<10000x128xf32, #tpu.memory_space<hbm>> -> memref<10000x128xf32, #tpu.memory_space<hbm>>
    tpu.enqueue_indirect_dma source(%dma_start3A_70 : memref<10000x128xf32, #tpu.memory_space<hbm>>) target(%arg6 : memref<120x128xf32, #tpu.memory_space<vmem>>) offsets(%dma_start3A_67 : memref<120xi32, #tpu.memory_space<vmem>>) semaphore(%arg16 : memref<!tpu.dma_semaphore, #tpu.memory_space<semaphore_mem>>)
    %dma_wait3A_71 = arith.constant 1 : i32
    %dma_wait3A_72 = arith.constant 0 : i32
    %dma_wait3A_73 = arith.constant 0 : i32
    %dma_wait3A_74 = tpu.memref_slice %arg3[%arg0, %arg1, %dma_wait3A_71, %dma_wait3A_72, %dma_wait3A_73] : memref<2x16x144x2x120xi32, #tpu.memory_space<hbm>> -> memref<1x1x1x2x120xi32, #tpu.memory_space<hbm>>
    %dma_wait3A_75 = tpu.memref_squeeze %dma_wait3A_74 : memref<1x1x1x2x120xi32, #tpu.memory_space<hbm>> -> memref<2x120xi32, #tpu.memory_space<hbm>>
    %dma_wait3A_76 = arith.constant 0 : i32
    %dma_wait3A_77 = arith.constant 0 : i32
    %dma_wait3A_78 = tpu.memref_slice %arg3[%arg0, %arg1, %dma_wait3A_71, %dma_wait3A_76, %dma_wait3A_77] : memref<2x16x144x2x120xi32, #tpu.memory_space<hbm>> -> memref<1x1x1x2x120xi32, #tpu.memory_space<hbm>>
    %dma_wait3A_79 = tpu.memref_squeeze %dma_wait3A_78 : memref<1x1x1x2x120xi32, #tpu.memory_space<hbm>> -> memref<2x120xi32, #tpu.memory_space<hbm>>
    tpu.wait_dma2 semaphore(%arg23 : memref<!tpu.dma_semaphore, #tpu.memory_space<semaphore_mem>>) src(%dma_wait3A_79 : memref<2x120xi32, #tpu.memory_space<hbm>>) dst(%arg10 : memref<2x120xi32, #tpu.memory_space<vmem>>)
    %dma_start3A_80 = arith.constant 0 : i32
    %dma_start3A_81 = arith.constant 0 : i32
    %dma_start3A_82 = tpu.memref_slice %arg10[%dma_start3A_80, %dma_start3A_81] : memref<2x120xi32, #tpu.memory_space<vmem>> -> memref<1x120xi32, #tpu.memory_space<vmem>>
    %dma_start3A_83 = tpu.memref_squeeze %dma_start3A_82 : memref<1x120xi32, #tpu.memory_space<vmem>> -> memref<120xi32, #tpu.memory_space<vmem>>
    %dma_start3A_84 = arith.constant 0 : i32
    %dma_start3A_85 = arith.constant 0 : i32
    %dma_start3A_86 = tpu.memref_slice %arg2[%dma_start3A_84, %dma_start3A_85] : memref<10000x128xf32, #tpu.memory_space<hbm>> -> memref<10000x128xf32, #tpu.memory_space<hbm>>
    tpu.enqueue_indirect_dma source(%dma_start3A_86 : memref<10000x128xf32, #tpu.memory_space<hbm>>) target(%arg7 : memref<120x128xf32, #tpu.memory_space<vmem>>) offsets(%dma_start3A_83 : memref<120xi32, #tpu.memory_space<vmem>>) semaphore(%arg17 : memref<!tpu.dma_semaphore, #tpu.memory_space<semaphore_mem>>)
    %dma_wait3A_87 = arith.constant 2 : i32
    %dma_wait3A_88 = arith.constant 0 : i32
    %dma_wait3A_89 = arith.constant 0 : i32
    %dma_wait3A_90 = tpu.memref_slice %arg3[%arg0, %arg1, %dma_wait3A_87, %dma_wait3A_88, %dma_wait3A_89] : memref<2x16x144x2x120xi32, #tpu.memory_space<hbm>> -> memref<1x1x1x2x120xi32, #tpu.memory_space<hbm>>
    %dma_wait3A_91 = tpu.memref_squeeze %dma_wait3A_90 : memref<1x1x1x2x120xi32, #tpu.memory_space<hbm>> -> memref<2x120xi32, #tpu.memory_space<hbm>>
    %dma_wait3A_92 = arith.constant 0 : i32
    %dma_wait3A_93 = arith.constant 0 : i32
    %dma_wait3A_94 = tpu.memref_slice %arg3[%arg0, %arg1, %dma_wait3A_87, %dma_wait3A_92, %dma_wait3A_93] : memref<2x16x144x2x120xi32, #tpu.memory_space<hbm>> -> memref<1x1x1x2x120xi32, #tpu.memory_space<hbm>>
    %dma_wait3A_95 = tpu.memref_squeeze %dma_wait3A_94 : memref<1x1x1x2x120xi32, #tpu.memory_space<hbm>> -> memref<2x120xi32, #tpu.memory_space<hbm>>
    tpu.wait_dma2 semaphore(%arg24 : memref<!tpu.dma_semaphore, #tpu.memory_space<semaphore_mem>>) src(%dma_wait3A_95 : memref<2x120xi32, #tpu.memory_space<hbm>>) dst(%arg11 : memref<2x120xi32, #tpu.memory_space<vmem>>)
    %dma_start3A_96 = arith.constant 0 : i32
    %dma_start3A_97 = arith.constant 0 : i32
    %dma_start3A_98 = tpu.memref_slice %arg11[%dma_start3A_96, %dma_start3A_97] : memref<2x120xi32, #tpu.memory_space<vmem>> -> memref<1x120xi32, #tpu.memory_space<vmem>>
    %dma_start3A_99 = tpu.memref_squeeze %dma_start3A_98 : memref<1x120xi32, #tpu.memory_space<vmem>> -> memref<120xi32, #tpu.memory_space<vmem>>
    %dma_start3A_100 = arith.constant 0 : i32
    %dma_start3A_101 = arith.constant 0 : i32
    %dma_start3A_102 = tpu.memref_slice %arg2[%dma_start3A_100, %dma_start3A_101] : memref<10000x128xf32, #tpu.memory_space<hbm>> -> memref<10000x128xf32, #tpu.memory_space<hbm>>
    tpu.enqueue_indirect_dma source(%dma_start3A_102 : memref<10000x128xf32, #tpu.memory_space<hbm>>) target(%arg8 : memref<120x128xf32, #tpu.memory_space<vmem>>) offsets(%dma_start3A_99 : memref<120xi32, #tpu.memory_space<vmem>>) semaphore(%arg18 : memref<!tpu.dma_semaphore, #tpu.memory_space<semaphore_mem>>)
    %jit3A_103 = arith.constant 6 : i32
    %div3A = arith.divsi %select_n3A, %jit3A_103 : i32
    %sign3A = arith.constant 0 : i32
    %sign3A_104 = arith.cmpi sgt, %select_n3A, %sign3A : i32
    %sign3A_105 = arith.extui %sign3A_104 : i1 to i32
    %sign3A_106 = arith.constant 0 : i32
    %sign3A_107 = arith.cmpi slt, %select_n3A, %sign3A_106 : i32
    %sign3A_108 = arith.extui %sign3A_107 : i1 to i32
    %sign3A_109 = arith.subi %sign3A_105, %sign3A_108 : i32
    %sign3A_110 = arith.constant 0 : i32
    %sign3A_111 = arith.cmpi sgt, %jit3A_103, %sign3A_110 : i32
    %sign3A_112 = arith.extui %sign3A_111 : i1 to i32
    %sign3A_113 = arith.constant 0 : i32
    %sign3A_114 = arith.cmpi slt, %jit3A_103, %sign3A_113 : i32
    %sign3A_115 = arith.extui %sign3A_114 : i1 to i32
    %sign3A_116 = arith.subi %sign3A_112, %sign3A_115 : i32
    %ne3A = arith.cmpi ne, %sign3A_109, %sign3A_116 : i32
    %rem3A = arith.remsi %select_n3A, %jit3A_103 : i32
    %ne3A_117 = arith.constant 0 : i32
    %ne3A_118 = arith.cmpi ne, %rem3A, %ne3A_117 : i32
    %and3A = arith.andi %ne3A, %ne3A_118 : i1
    %sub3A = arith.constant 1 : i32
    %sub3A_119 = arith.subi %div3A, %sub3A : i32
    %select_n3A_120 = arith.select %and3A, %sub3A_119, %div3A : i32
    %while3A = arith.constant 0 : i32
    %while3A_121 = arith.constant 0 : i32
    %while3A_122 = arith.subi %select_n3A_120, %while3A_121 : i32
    %while3A_123 = arith.addi %while3A_121, %while3A_122 : i32
    %while3A_124 = arith.constant 1 : i32
    %while3A_125 = arith.divsi %while3A_122, %while3A_124 : i32
    %while3A_126 = arith.muli %while3A_125, %while3A_124 : i32
    %while3A_127 = arith.addi %while3A_121, %while3A_126 : i32
    %while3A_128 = arith.constant 1 : i32
    scf.for %while3A_181 = %while3A_121 to %while3A_127 step %while3A_128  : i32 {
      %mul3A_182 = arith.constant 2 : i32
      %mul3A_183 = arith.muli %while3A_181, %mul3A_182 : i32
      %mul3A_184 = arith.constant 3 : i32
      %mul3A_185 = arith.muli %mul3A_183, %mul3A_184 : i32
      %add3A = arith.constant 0 : i32
      %add3A_186 = arith.addi %mul3A_185, %add3A : i32
      %dma_wait3A_187 = arith.constant 0 : i32
      %dma_wait3A_188 = arith.constant 0 : i32
      %dma_wait3A_189 = tpu.memref_slice %arg9[%dma_wait3A_187, %dma_wait3A_188] : memref<2x120xi32, #tpu.memory_space<vmem>> -> memref<1x120xi32, #tpu.memory_space<vmem>>
      %dma_wait3A_190 = tpu.memref_squeeze %dma_wait3A_189 : memref<1x120xi32, #tpu.memory_space<vmem>> -> memref<120xi32, #tpu.memory_space<vmem>>
      %dma_wait3A_191 = arith.constant 0 : i32
      %dma_wait3A_192 = arith.constant 0 : i32
      %dma_wait3A_193 = tpu.memref_slice %arg2[%dma_wait3A_191, %dma_wait3A_192] : memref<10000x128xf32, #tpu.memory_space<hbm>> -> memref<10000x128xf32, #tpu.memory_space<hbm>>
      tpu.wait_indirect_dma semaphore(%arg16 : memref<!tpu.dma_semaphore, #tpu.memory_space<semaphore_mem>>) src(%dma_wait3A_193 : memref<10000x128xf32, #tpu.memory_space<hbm>>) dst(%arg6 : memref<120x128xf32, #tpu.memory_space<vmem>>)
      %dma_start3A_194 = arith.constant 1 : i32
      %dma_start3A_195 = arith.constant 0 : i32
      %dma_start3A_196 = tpu.memref_slice %arg9[%dma_start3A_194, %dma_start3A_195] : memref<2x120xi32, #tpu.memory_space<vmem>> -> memref<1x120xi32, #tpu.memory_space<vmem>>
      %dma_start3A_197 = tpu.memref_squeeze %dma_start3A_196 : memref<1x120xi32, #tpu.memory_space<vmem>> -> memref<120xi32, #tpu.memory_space<vmem>>
      %dma_start3A_198 = arith.constant 0 : i32
      %dma_start3A_199 = arith.constant 0 : i32
      %dma_start3A_200 = tpu.memref_slice %arg15[%dma_start3A_198, %dma_start3A_199] : memref<10112x128xf32, #tpu.memory_space<vmem_shared>> -> memref<10112x128xf32, #tpu.memory_space<vmem_shared>>
      tpu.enqueue_indirect_dma source(%arg6 : memref<120x128xf32, #tpu.memory_space<vmem>>) target(%dma_start3A_200 : memref<10112x128xf32, #tpu.memory_space<vmem_shared>>) offsets(%dma_start3A_197 : memref<120xi32, #tpu.memory_space<vmem>>) semaphore(%arg19 : memref<!tpu.dma_semaphore, #tpu.memory_space<semaphore_mem>>) {add = true}
      %dma_wait3A_201 = arith.constant 1 : i32
      %dma_wait3A_202 = arith.constant 0 : i32
      %dma_wait3A_203 = tpu.memref_slice %arg9[%dma_wait3A_201, %dma_wait3A_202] : memref<2x120xi32, #tpu.memory_space<vmem>> -> memref<1x120xi32, #tpu.memory_space<vmem>>
      %dma_wait3A_204 = tpu.memref_squeeze %dma_wait3A_203 : memref<1x120xi32, #tpu.memory_space<vmem>> -> memref<120xi32, #tpu.memory_space<vmem>>
      %dma_wait3A_205 = arith.constant 0 : i32
      %dma_wait3A_206 = arith.constant 0 : i32
      %dma_wait3A_207 = tpu.memref_slice %arg15[%dma_wait3A_205, %dma_wait3A_206] : memref<10112x128xf32, #tpu.memory_space<vmem_shared>> -> memref<10112x128xf32, #tpu.memory_space<vmem_shared>>
      tpu.wait_indirect_dma semaphore(%arg19 : memref<!tpu.dma_semaphore, #tpu.memory_space<semaphore_mem>>) src(%arg6 : memref<120x128xf32, #tpu.memory_space<vmem>>) dst(%dma_wait3A_207 : memref<10112x128xf32, #tpu.memory_space<vmem_shared>>)
      %add3A_208 = arith.constant 6 : i32
      %add3A_209 = arith.addi %add3A_186, %add3A_208 : i32
      %sub3A_210 = arith.constant 1 : i32
      %sub3A_211 = arith.subi %select_n3A, %sub3A_210 : i32
      %min3A = arith.minsi %add3A_209, %sub3A_211 : i32
      %dma_start3A_212 = arith.constant 0 : i32
      %dma_start3A_213 = arith.constant 0 : i32
      %dma_start3A_214 = tpu.memref_slice %arg3[%arg0, %arg1, %min3A, %dma_start3A_212, %dma_start3A_213] : memref<2x16x144x2x120xi32, #tpu.memory_space<hbm>> -> memref<1x1x1x2x120xi32, #tpu.memory_space<hbm>>
      %dma_start3A_215 = tpu.memref_squeeze %dma_start3A_214 : memref<1x1x1x2x120xi32, #tpu.memory_space<hbm>> -> memref<2x120xi32, #tpu.memory_space<hbm>>
      %dma_start3A_216 = arith.constant 0 : i32
      %dma_start3A_217 = arith.constant 0 : i32
      %dma_start3A_218 = tpu.memref_slice %arg3[%arg0, %arg1, %min3A, %dma_start3A_216, %dma_start3A_217] : memref<2x16x144x2x120xi32, #tpu.memory_space<hbm>> -> memref<1x1x1x2x120xi32, #tpu.memory_space<hbm>>
      %dma_start3A_219 = tpu.memref_squeeze %dma_start3A_218 : memref<1x1x1x2x120xi32, #tpu.memory_space<hbm>> -> memref<2x120xi32, #tpu.memory_space<hbm>>
      tpu.enqueue_dma source(%dma_start3A_219 : memref<2x120xi32, #tpu.memory_space<hbm>>) target(%arg9 : memref<2x120xi32, #tpu.memory_space<vmem>>) target_semaphore(%arg22 : memref<!tpu.dma_semaphore, #tpu.memory_space<semaphore_mem>>)
      %dma_wait3A_220 = arith.constant 0 : i32
      %dma_wait3A_221 = arith.constant 0 : i32
      %dma_wait3A_222 = tpu.memref_slice %arg3[%arg0, %arg1, %add3A_186, %dma_wait3A_220, %dma_wait3A_221] : memref<2x16x144x2x120xi32, #tpu.memory_space<hbm>> -> memref<1x1x1x2x120xi32, #tpu.memory_space<hbm>>
      %dma_wait3A_223 = tpu.memref_squeeze %dma_wait3A_222 : memref<1x1x1x2x120xi32, #tpu.memory_space<hbm>> -> memref<2x120xi32, #tpu.memory_space<hbm>>
      %dma_wait3A_224 = arith.constant 0 : i32
      %dma_wait3A_225 = arith.constant 0 : i32
      %dma_wait3A_226 = tpu.memref_slice %arg3[%arg0, %arg1, %add3A_186, %dma_wait3A_224, %dma_wait3A_225] : memref<2x16x144x2x120xi32, #tpu.memory_space<hbm>> -> memref<1x1x1x2x120xi32, #tpu.memory_space<hbm>>
      %dma_wait3A_227 = tpu.memref_squeeze %dma_wait3A_226 : memref<1x1x1x2x120xi32, #tpu.memory_space<hbm>> -> memref<2x120xi32, #tpu.memory_space<hbm>>
      tpu.wait_dma2 semaphore(%arg25 : memref<!tpu.dma_semaphore, #tpu.memory_space<semaphore_mem>>) src(%dma_wait3A_227 : memref<2x120xi32, #tpu.memory_space<hbm>>) dst(%arg12 : memref<2x120xi32, #tpu.memory_space<vmem>>)
      %dma_start3A_228 = arith.constant 0 : i32
      %dma_start3A_229 = arith.constant 0 : i32
      %dma_start3A_230 = tpu.memref_slice %arg12[%dma_start3A_228, %dma_start3A_229] : memref<2x120xi32, #tpu.memory_space<vmem>> -> memref<1x120xi32, #tpu.memory_space<vmem>>
      %dma_start3A_231 = tpu.memref_squeeze %dma_start3A_230 : memref<1x120xi32, #tpu.memory_space<vmem>> -> memref<120xi32, #tpu.memory_space<vmem>>
      %dma_start3A_232 = arith.constant 0 : i32
      %dma_start3A_233 = arith.constant 0 : i32
      %dma_start3A_234 = tpu.memref_slice %arg2[%dma_start3A_232, %dma_start3A_233] : memref<10000x128xf32, #tpu.memory_space<hbm>> -> memref<10000x128xf32, #tpu.memory_space<hbm>>
      tpu.enqueue_indirect_dma source(%dma_start3A_234 : memref<10000x128xf32, #tpu.memory_space<hbm>>) target(%arg6 : memref<120x128xf32, #tpu.memory_space<vmem>>) offsets(%dma_start3A_231 : memref<120xi32, #tpu.memory_space<vmem>>) semaphore(%arg16 : memref<!tpu.dma_semaphore, #tpu.memory_space<semaphore_mem>>)
      %add3A_235 = arith.constant 1 : i32
      %add3A_236 = arith.addi %mul3A_185, %add3A_235 : i32
      %dma_wait3A_237 = arith.constant 0 : i32
      %dma_wait3A_238 = arith.constant 0 : i32
      %dma_wait3A_239 = tpu.memref_slice %arg10[%dma_wait3A_237, %dma_wait3A_238] : memref<2x120xi32, #tpu.memory_space<vmem>> -> memref<1x120xi32, #tpu.memory_space<vmem>>
      %dma_wait3A_240 = tpu.memref_squeeze %dma_wait3A_239 : memref<1x120xi32, #tpu.memory_space<vmem>> -> memref<120xi32, #tpu.memory_space<vmem>>
      %dma_wait3A_241 = arith.constant 0 : i32
      %dma_wait3A_242 = arith.constant 0 : i32
      %dma_wait3A_243 = tpu.memref_slice %arg2[%dma_wait3A_241, %dma_wait3A_242] : memref<10000x128xf32, #tpu.memory_space<hbm>> -> memref<10000x128xf32, #tpu.memory_space<hbm>>
      tpu.wait_indirect_dma semaphore(%arg17 : memref<!tpu.dma_semaphore, #tpu.memory_space<semaphore_mem>>) src(%dma_wait3A_243 : memref<10000x128xf32, #tpu.memory_space<hbm>>) dst(%arg7 : memref<120x128xf32, #tpu.memory_space<vmem>>)
      %dma_start3A_244 = arith.constant 1 : i32
      %dma_start3A_245 = arith.constant 0 : i32
      %dma_start3A_246 = tpu.memref_slice %arg10[%dma_start3A_244, %dma_start3A_245] : memref<2x120xi32, #tpu.memory_space<vmem>> -> memref<1x120xi32, #tpu.memory_space<vmem>>
      %dma_start3A_247 = tpu.memref_squeeze %dma_start3A_246 : memref<1x120xi32, #tpu.memory_space<vmem>> -> memref<120xi32, #tpu.memory_space<vmem>>
      %dma_start3A_248 = arith.constant 0 : i32
      %dma_start3A_249 = arith.constant 0 : i32
      %dma_start3A_250 = tpu.memref_slice %arg15[%dma_start3A_248, %dma_start3A_249] : memref<10112x128xf32, #tpu.memory_space<vmem_shared>> -> memref<10112x128xf32, #tpu.memory_space<vmem_shared>>
      tpu.enqueue_indirect_dma source(%arg7 : memref<120x128xf32, #tpu.memory_space<vmem>>) target(%dma_start3A_250 : memref<10112x128xf32, #tpu.memory_space<vmem_shared>>) offsets(%dma_start3A_247 : memref<120xi32, #tpu.memory_space<vmem>>) semaphore(%arg20 : memref<!tpu.dma_semaphore, #tpu.memory_space<semaphore_mem>>) {add = true}
      %dma_wait3A_251 = arith.constant 1 : i32
      %dma_wait3A_252 = arith.constant 0 : i32
      %dma_wait3A_253 = tpu.memref_slice %arg10[%dma_wait3A_251, %dma_wait3A_252] : memref<2x120xi32, #tpu.memory_space<vmem>> -> memref<1x120xi32, #tpu.memory_space<vmem>>
      %dma_wait3A_254 = tpu.memref_squeeze %dma_wait3A_253 : memref<1x120xi32, #tpu.memory_space<vmem>> -> memref<120xi32, #tpu.memory_space<vmem>>
      %dma_wait3A_255 = arith.constant 0 : i32
      %dma_wait3A_256 = arith.constant 0 : i32
      %dma_wait3A_257 = tpu.memref_slice %arg15[%dma_wait3A_255, %dma_wait3A_256] : memref<10112x128xf32, #tpu.memory_space<vmem_shared>> -> memref<10112x128xf32, #tpu.memory_space<vmem_shared>>
      tpu.wait_indirect_dma semaphore(%arg20 : memref<!tpu.dma_semaphore, #tpu.memory_space<semaphore_mem>>) src(%arg7 : memref<120x128xf32, #tpu.memory_space<vmem>>) dst(%dma_wait3A_257 : memref<10112x128xf32, #tpu.memory_space<vmem_shared>>)
      %add3A_258 = arith.constant 6 : i32
      %add3A_259 = arith.addi %add3A_236, %add3A_258 : i32
      %sub3A_260 = arith.constant 1 : i32
      %sub3A_261 = arith.subi %select_n3A, %sub3A_260 : i32
      %min3A_262 = arith.minsi %add3A_259, %sub3A_261 : i32
      %dma_start3A_263 = arith.constant 0 : i32
      %dma_start3A_264 = arith.constant 0 : i32
      %dma_start3A_265 = tpu.memref_slice %arg3[%arg0, %arg1, %min3A_262, %dma_start3A_263, %dma_start3A_264] : memref<2x16x144x2x120xi32, #tpu.memory_space<hbm>> -> memref<1x1x1x2x120xi32, #tpu.memory_space<hbm>>
      %dma_start3A_266 = tpu.memref_squeeze %dma_start3A_265 : memref<1x1x1x2x120xi32, #tpu.memory_space<hbm>> -> memref<2x120xi32, #tpu.memory_space<hbm>>
      %dma_start3A_267 = arith.constant 0 : i32
      %dma_start3A_268 = arith.constant 0 : i32
      %dma_start3A_269 = tpu.memref_slice %arg3[%arg0, %arg1, %min3A_262, %dma_start3A_267, %dma_start3A_268] : memref<2x16x144x2x120xi32, #tpu.memory_space<hbm>> -> memref<1x1x1x2x120xi32, #tpu.memory_space<hbm>>
      %dma_start3A_270 = tpu.memref_squeeze %dma_start3A_269 : memref<1x1x1x2x120xi32, #tpu.memory_space<hbm>> -> memref<2x120xi32, #tpu.memory_space<hbm>>
      tpu.enqueue_dma source(%dma_start3A_270 : memref<2x120xi32, #tpu.memory_space<hbm>>) target(%arg10 : memref<2x120xi32, #tpu.memory_space<vmem>>) target_semaphore(%arg23 : memref<!tpu.dma_semaphore, #tpu.memory_space<semaphore_mem>>)
      %dma_wait3A_271 = arith.constant 0 : i32
      %dma_wait3A_272 = arith.constant 0 : i32
      %dma_wait3A_273 = tpu.memref_slice %arg3[%arg0, %arg1, %add3A_236, %dma_wait3A_271, %dma_wait3A_272] : memref<2x16x144x2x120xi32, #tpu.memory_space<hbm>> -> memref<1x1x1x2x120xi32, #tpu.memory_space<hbm>>
      %dma_wait3A_274 = tpu.memref_squeeze %dma_wait3A_273 : memref<1x1x1x2x120xi32, #tpu.memory_space<hbm>> -> memref<2x120xi32, #tpu.memory_space<hbm>>
      %dma_wait3A_275 = arith.constant 0 : i32
      %dma_wait3A_276 = arith.constant 0 : i32
      %dma_wait3A_277 = tpu.memref_slice %arg3[%arg0, %arg1, %add3A_236, %dma_wait3A_275, %dma_wait3A_276] : memref<2x16x144x2x120xi32, #tpu.memory_space<hbm>> -> memref<1x1x1x2x120xi32, #tpu.memory_space<hbm>>
      %dma_wait3A_278 = tpu.memref_squeeze %dma_wait3A_277 : memref<1x1x1x2x120xi32, #tpu.memory_space<hbm>> -> memref<2x120xi32, #tpu.memory_space<hbm>>
      tpu.wait_dma2 semaphore(%arg26 : memref<!tpu.dma_semaphore, #tpu.memory_space<semaphore_mem>>) src(%dma_wait3A_278 : memref<2x120xi32, #tpu.memory_space<hbm>>) dst(%arg13 : memref<2x120xi32, #tpu.memory_space<vmem>>)
      %dma_start3A_279 = arith.constant 0 : i32
      %dma_start3A_280 = arith.constant 0 : i32
      %dma_start3A_281 = tpu.memref_slice %arg13[%dma_start3A_279, %dma_start3A_280] : memref<2x120xi32, #tpu.memory_space<vmem>> -> memref<1x120xi32, #tpu.memory_space<vmem>>
      %dma_start3A_282 = tpu.memref_squeeze %dma_start3A_281 : memref<1x120xi32, #tpu.memory_space<vmem>> -> memref<120xi32, #tpu.memory_space<vmem>>
      %dma_start3A_283 = arith.constant 0 : i32
      %dma_start3A_284 = arith.constant 0 : i32
      %dma_start3A_285 = tpu.memref_slice %arg2[%dma_start3A_283, %dma_start3A_284] : memref<10000x128xf32, #tpu.memory_space<hbm>> -> memref<10000x128xf32, #tpu.memory_space<hbm>>
      tpu.enqueue_indirect_dma source(%dma_start3A_285 : memref<10000x128xf32, #tpu.memory_space<hbm>>) target(%arg7 : memref<120x128xf32, #tpu.memory_space<vmem>>) offsets(%dma_start3A_282 : memref<120xi32, #tpu.memory_space<vmem>>) semaphore(%arg17 : memref<!tpu.dma_semaphore, #tpu.memory_space<semaphore_mem>>)
      %add3A_286 = arith.constant 2 : i32
      %add3A_287 = arith.addi %mul3A_185, %add3A_286 : i32
      %dma_wait3A_288 = arith.constant 0 : i32
      %dma_wait3A_289 = arith.constant 0 : i32
      %dma_wait3A_290 = tpu.memref_slice %arg11[%dma_wait3A_288, %dma_wait3A_289] : memref<2x120xi32, #tpu.memory_space<vmem>> -> memref<1x120xi32, #tpu.memory_space<vmem>>
      %dma_wait3A_291 = tpu.memref_squeeze %dma_wait3A_290 : memref<1x120xi32, #tpu.memory_space<vmem>> -> memref<120xi32, #tpu.memory_space<vmem>>
      %dma_wait3A_292 = arith.constant 0 : i32
      %dma_wait3A_293 = arith.constant 0 : i32
      %dma_wait3A_294 = tpu.memref_slice %arg2[%dma_wait3A_292, %dma_wait3A_293] : memref<10000x128xf32, #tpu.memory_space<hbm>> -> memref<10000x128xf32, #tpu.memory_space<hbm>>
      tpu.wait_indirect_dma semaphore(%arg18 : memref<!tpu.dma_semaphore, #tpu.memory_space<semaphore_mem>>) src(%dma_wait3A_294 : memref<10000x128xf32, #tpu.memory_space<hbm>>) dst(%arg8 : memref<120x128xf32, #tpu.memory_space<vmem>>)
      %dma_start3A_295 = arith.constant 1 : i32
      %dma_start3A_296 = arith.constant 0 : i32
      %dma_start3A_297 = tpu.memref_slice %arg11[%dma_start3A_295, %dma_start3A_296] : memref<2x120xi32, #tpu.memory_space<vmem>> -> memref<1x120xi32, #tpu.memory_space<vmem>>
      %dma_start3A_298 = tpu.memref_squeeze %dma_start3A_297 : memref<1x120xi32, #tpu.memory_space<vmem>> -> memref<120xi32, #tpu.memory_space<vmem>>
      %dma_start3A_299 = arith.constant 0 : i32
      %dma_start3A_300 = arith.constant 0 : i32
      %dma_start3A_301 = tpu.memref_slice %arg15[%dma_start3A_299, %dma_start3A_300] : memref<10112x128xf32, #tpu.memory_space<vmem_shared>> -> memref<10112x128xf32, #tpu.memory_space<vmem_shared>>
      tpu.enqueue_indirect_dma source(%arg8 : memref<120x128xf32, #tpu.memory_space<vmem>>) target(%dma_start3A_301 : memref<10112x128xf32, #tpu.memory_space<vmem_shared>>) offsets(%dma_start3A_298 : memref<120xi32, #tpu.memory_space<vmem>>) semaphore(%arg21 : memref<!tpu.dma_semaphore, #tpu.memory_space<semaphore_mem>>) {add = true}
      %dma_wait3A_302 = arith.constant 1 : i32
      %dma_wait3A_303 = arith.constant 0 : i32
      %dma_wait3A_304 = tpu.memref_slice %arg11[%dma_wait3A_302, %dma_wait3A_303] : memref<2x120xi32, #tpu.memory_space<vmem>> -> memref<1x120xi32, #tpu.memory_space<vmem>>
      %dma_wait3A_305 = tpu.memref_squeeze %dma_wait3A_304 : memref<1x120xi32, #tpu.memory_space<vmem>> -> memref<120xi32, #tpu.memory_space<vmem>>
      %dma_wait3A_306 = arith.constant 0 : i32
      %dma_wait3A_307 = arith.constant 0 : i32
      %dma_wait3A_308 = tpu.memref_slice %arg15[%dma_wait3A_306, %dma_wait3A_307] : memref<10112x128xf32, #tpu.memory_space<vmem_shared>> -> memref<10112x128xf32, #tpu.memory_space<vmem_shared>>
      tpu.wait_indirect_dma semaphore(%arg21 : memref<!tpu.dma_semaphore, #tpu.memory_space<semaphore_mem>>) src(%arg8 : memref<120x128xf32, #tpu.memory_space<vmem>>) dst(%dma_wait3A_308 : memref<10112x128xf32, #tpu.memory_space<vmem_shared>>)
      %add3A_309 = arith.constant 6 : i32
      %add3A_310 = arith.addi %add3A_287, %add3A_309 : i32
      %sub3A_311 = arith.constant 1 : i32
      %sub3A_312 = arith.subi %select_n3A, %sub3A_311 : i32
      %min3A_313 = arith.minsi %add3A_310, %sub3A_312 : i32
      %dma_start3A_314 = arith.constant 0 : i32
      %dma_start3A_315 = arith.constant 0 : i32
      %dma_start3A_316 = tpu.memref_slice %arg3[%arg0, %arg1, %min3A_313, %dma_start3A_314, %dma_start3A_315] : memref<2x16x144x2x120xi32, #tpu.memory_space<hbm>> -> memref<1x1x1x2x120xi32, #tpu.memory_space<hbm>>
      %dma_start3A_317 = tpu.memref_squeeze %dma_start3A_316 : memref<1x1x1x2x120xi32, #tpu.memory_space<hbm>> -> memref<2x120xi32, #tpu.memory_space<hbm>>
      %dma_start3A_318 = arith.constant 0 : i32
      %dma_start3A_319 = arith.constant 0 : i32
      %dma_start3A_320 = tpu.memref_slice %arg3[%arg0, %arg1, %min3A_313, %dma_start3A_318, %dma_start3A_319] : memref<2x16x144x2x120xi32, #tpu.memory_space<hbm>> -> memref<1x1x1x2x120xi32, #tpu.memory_space<hbm>>
      %dma_start3A_321 = tpu.memref_squeeze %dma_start3A_320 : memref<1x1x1x2x120xi32, #tpu.memory_space<hbm>> -> memref<2x120xi32, #tpu.memory_space<hbm>>
      tpu.enqueue_dma source(%dma_start3A_321 : memref<2x120xi32, #tpu.memory_space<hbm>>) target(%arg11 : memref<2x120xi32, #tpu.memory_space<vmem>>) target_semaphore(%arg24 : memref<!tpu.dma_semaphore, #tpu.memory_space<semaphore_mem>>)
      %dma_wait3A_322 = arith.constant 0 : i32
      %dma_wait3A_323 = arith.constant 0 : i32
      %dma_wait3A_324 = tpu.memref_slice %arg3[%arg0, %arg1, %add3A_287, %dma_wait3A_322, %dma_wait3A_323] : memref<2x16x144x2x120xi32, #tpu.memory_space<hbm>> -> memref<1x1x1x2x120xi32, #tpu.memory_space<hbm>>
      %dma_wait3A_325 = tpu.memref_squeeze %dma_wait3A_324 : memref<1x1x1x2x120xi32, #tpu.memory_space<hbm>> -> memref<2x120xi32, #tpu.memory_space<hbm>>
      %dma_wait3A_326 = arith.constant 0 : i32
      %dma_wait3A_327 = arith.constant 0 : i32
      %dma_wait3A_328 = tpu.memref_slice %arg3[%arg0, %arg1, %add3A_287, %dma_wait3A_326, %dma_wait3A_327] : memref<2x16x144x2x120xi32, #tpu.memory_space<hbm>> -> memref<1x1x1x2x120xi32, #tpu.memory_space<hbm>>
      %dma_wait3A_329 = tpu.memref_squeeze %dma_wait3A_328 : memref<1x1x1x2x120xi32, #tpu.memory_space<hbm>> -> memref<2x120xi32, #tpu.memory_space<hbm>>
      tpu.wait_dma2 semaphore(%arg27 : memref<!tpu.dma_semaphore, #tpu.memory_space<semaphore_mem>>) src(%dma_wait3A_329 : memref<2x120xi32, #tpu.memory_space<hbm>>) dst(%arg14 : memref<2x120xi32, #tpu.memory_space<vmem>>)
      %dma_start3A_330 = arith.constant 0 : i32
      %dma_start3A_331 = arith.constant 0 : i32
      %dma_start3A_332 = tpu.memref_slice %arg14[%dma_start3A_330, %dma_start3A_331] : memref<2x120xi32, #tpu.memory_space<vmem>> -> memref<1x120xi32, #tpu.memory_space<vmem>>
      %dma_start3A_333 = tpu.memref_squeeze %dma_start3A_332 : memref<1x120xi32, #tpu.memory_space<vmem>> -> memref<120xi32, #tpu.memory_space<vmem>>
      %dma_start3A_334 = arith.constant 0 : i32
      %dma_start3A_335 = arith.constant 0 : i32
      %dma_start3A_336 = tpu.memref_slice %arg2[%dma_start3A_334, %dma_start3A_335] : memref<10000x128xf32, #tpu.memory_space<hbm>> -> memref<10000x128xf32, #tpu.memory_space<hbm>>
      tpu.enqueue_indirect_dma source(%dma_start3A_336 : memref<10000x128xf32, #tpu.memory_space<hbm>>) target(%arg8 : memref<120x128xf32, #tpu.memory_space<vmem>>) offsets(%dma_start3A_333 : memref<120xi32, #tpu.memory_space<vmem>>) semaphore(%arg18 : memref<!tpu.dma_semaphore, #tpu.memory_space<semaphore_mem>>)
      %add3A_337 = arith.constant 3 : i32
      %add3A_338 = arith.addi %mul3A_185, %add3A_337 : i32
      %dma_wait3A_339 = arith.constant 0 : i32
      %dma_wait3A_340 = arith.constant 0 : i32
      %dma_wait3A_341 = tpu.memref_slice %arg12[%dma_wait3A_339, %dma_wait3A_340] : memref<2x120xi32, #tpu.memory_space<vmem>> -> memref<1x120xi32, #tpu.memory_space<vmem>>
      %dma_wait3A_342 = tpu.memref_squeeze %dma_wait3A_341 : memref<1x120xi32, #tpu.memory_space<vmem>> -> memref<120xi32, #tpu.memory_space<vmem>>
      %dma_wait3A_343 = arith.constant 0 : i32
      %dma_wait3A_344 = arith.constant 0 : i32
      %dma_wait3A_345 = tpu.memref_slice %arg2[%dma_wait3A_343, %dma_wait3A_344] : memref<10000x128xf32, #tpu.memory_space<hbm>> -> memref<10000x128xf32, #tpu.memory_space<hbm>>
      tpu.wait_indirect_dma semaphore(%arg16 : memref<!tpu.dma_semaphore, #tpu.memory_space<semaphore_mem>>) src(%dma_wait3A_345 : memref<10000x128xf32, #tpu.memory_space<hbm>>) dst(%arg6 : memref<120x128xf32, #tpu.memory_space<vmem>>)
      %dma_start3A_346 = arith.constant 1 : i32
      %dma_start3A_347 = arith.constant 0 : i32
      %dma_start3A_348 = tpu.memref_slice %arg12[%dma_start3A_346, %dma_start3A_347] : memref<2x120xi32, #tpu.memory_space<vmem>> -> memref<1x120xi32, #tpu.memory_space<vmem>>
      %dma_start3A_349 = tpu.memref_squeeze %dma_start3A_348 : memref<1x120xi32, #tpu.memory_space<vmem>> -> memref<120xi32, #tpu.memory_space<vmem>>
      %dma_start3A_350 = arith.constant 0 : i32
      %dma_start3A_351 = arith.constant 0 : i32
      %dma_start3A_352 = tpu.memref_slice %arg15[%dma_start3A_350, %dma_start3A_351] : memref<10112x128xf32, #tpu.memory_space<vmem_shared>> -> memref<10112x128xf32, #tpu.memory_space<vmem_shared>>
      tpu.enqueue_indirect_dma source(%arg6 : memref<120x128xf32, #tpu.memory_space<vmem>>) target(%dma_start3A_352 : memref<10112x128xf32, #tpu.memory_space<vmem_shared>>) offsets(%dma_start3A_349 : memref<120xi32, #tpu.memory_space<vmem>>) semaphore(%arg19 : memref<!tpu.dma_semaphore, #tpu.memory_space<semaphore_mem>>) {add = true}
      %dma_wait3A_353 = arith.constant 1 : i32
      %dma_wait3A_354 = arith.constant 0 : i32
      %dma_wait3A_355 = tpu.memref_slice %arg12[%dma_wait3A_353, %dma_wait3A_354] : memref<2x120xi32, #tpu.memory_space<vmem>> -> memref<1x120xi32, #tpu.memory_space<vmem>>
      %dma_wait3A_356 = tpu.memref_squeeze %dma_wait3A_355 : memref<1x120xi32, #tpu.memory_space<vmem>> -> memref<120xi32, #tpu.memory_space<vmem>>
      %dma_wait3A_357 = arith.constant 0 : i32
      %dma_wait3A_358 = arith.constant 0 : i32
      %dma_wait3A_359 = tpu.memref_slice %arg15[%dma_wait3A_357, %dma_wait3A_358] : memref<10112x128xf32, #tpu.memory_space<vmem_shared>> -> memref<10112x128xf32, #tpu.memory_space<vmem_shared>>
      tpu.wait_indirect_dma semaphore(%arg19 : memref<!tpu.dma_semaphore, #tpu.memory_space<semaphore_mem>>) src(%arg6 : memref<120x128xf32, #tpu.memory_space<vmem>>) dst(%dma_wait3A_359 : memref<10112x128xf32, #tpu.memory_space<vmem_shared>>)
      %add3A_360 = arith.constant 6 : i32
      %add3A_361 = arith.addi %add3A_338, %add3A_360 : i32
      %sub3A_362 = arith.constant 1 : i32
      %sub3A_363 = arith.subi %select_n3A, %sub3A_362 : i32
      %min3A_364 = arith.minsi %add3A_361, %sub3A_363 : i32
      %dma_start3A_365 = arith.constant 0 : i32
      %dma_start3A_366 = arith.constant 0 : i32
      %dma_start3A_367 = tpu.memref_slice %arg3[%arg0, %arg1, %min3A_364, %dma_start3A_365, %dma_start3A_366] : memref<2x16x144x2x120xi32, #tpu.memory_space<hbm>> -> memref<1x1x1x2x120xi32, #tpu.memory_space<hbm>>
      %dma_start3A_368 = tpu.memref_squeeze %dma_start3A_367 : memref<1x1x1x2x120xi32, #tpu.memory_space<hbm>> -> memref<2x120xi32, #tpu.memory_space<hbm>>
      %dma_start3A_369 = arith.constant 0 : i32
      %dma_start3A_370 = arith.constant 0 : i32
      %dma_start3A_371 = tpu.memref_slice %arg3[%arg0, %arg1, %min3A_364, %dma_start3A_369, %dma_start3A_370] : memref<2x16x144x2x120xi32, #tpu.memory_space<hbm>> -> memref<1x1x1x2x120xi32, #tpu.memory_space<hbm>>
      %dma_start3A_372 = tpu.memref_squeeze %dma_start3A_371 : memref<1x1x1x2x120xi32, #tpu.memory_space<hbm>> -> memref<2x120xi32, #tpu.memory_space<hbm>>
      tpu.enqueue_dma source(%dma_start3A_372 : memref<2x120xi32, #tpu.memory_space<hbm>>) target(%arg12 : memref<2x120xi32, #tpu.memory_space<vmem>>) target_semaphore(%arg25 : memref<!tpu.dma_semaphore, #tpu.memory_space<semaphore_mem>>)
      %dma_wait3A_373 = arith.constant 0 : i32
      %dma_wait3A_374 = arith.constant 0 : i32
      %dma_wait3A_375 = tpu.memref_slice %arg3[%arg0, %arg1, %add3A_338, %dma_wait3A_373, %dma_wait3A_374] : memref<2x16x144x2x120xi32, #tpu.memory_space<hbm>> -> memref<1x1x1x2x120xi32, #tpu.memory_space<hbm>>
      %dma_wait3A_376 = tpu.memref_squeeze %dma_wait3A_375 : memref<1x1x1x2x120xi32, #tpu.memory_space<hbm>> -> memref<2x120xi32, #tpu.memory_space<hbm>>
      %dma_wait3A_377 = arith.constant 0 : i32
      %dma_wait3A_378 = arith.constant 0 : i32
      %dma_wait3A_379 = tpu.memref_slice %arg3[%arg0, %arg1, %add3A_338, %dma_wait3A_377, %dma_wait3A_378] : memref<2x16x144x2x120xi32, #tpu.memory_space<hbm>> -> memref<1x1x1x2x120xi32, #tpu.memory_space<hbm>>
      %dma_wait3A_380 = tpu.memref_squeeze %dma_wait3A_379 : memref<1x1x1x2x120xi32, #tpu.memory_space<hbm>> -> memref<2x120xi32, #tpu.memory_space<hbm>>
      tpu.wait_dma2 semaphore(%arg22 : memref<!tpu.dma_semaphore, #tpu.memory_space<semaphore_mem>>) src(%dma_wait3A_380 : memref<2x120xi32, #tpu.memory_space<hbm>>) dst(%arg9 : memref<2x120xi32, #tpu.memory_space<vmem>>)
      %dma_start3A_381 = arith.constant 0 : i32
      %dma_start3A_382 = arith.constant 0 : i32
      %dma_start3A_383 = tpu.memref_slice %arg9[%dma_start3A_381, %dma_start3A_382] : memref<2x120xi32, #tpu.memory_space<vmem>> -> memref<1x120xi32, #tpu.memory_space<vmem>>
      %dma_start3A_384 = tpu.memref_squeeze %dma_start3A_383 : memref<1x120xi32, #tpu.memory_space<vmem>> -> memref<120xi32, #tpu.memory_space<vmem>>
      %dma_start3A_385 = arith.constant 0 : i32
      %dma_start3A_386 = arith.constant 0 : i32
      %dma_start3A_387 = tpu.memref_slice %arg2[%dma_start3A_385, %dma_start3A_386] : memref<10000x128xf32, #tpu.memory_space<hbm>> -> memref<10000x128xf32, #tpu.memory_space<hbm>>
      tpu.enqueue_indirect_dma source(%dma_start3A_387 : memref<10000x128xf32, #tpu.memory_space<hbm>>) target(%arg6 : memref<120x128xf32, #tpu.memory_space<vmem>>) offsets(%dma_start3A_384 : memref<120xi32, #tpu.memory_space<vmem>>) semaphore(%arg16 : memref<!tpu.dma_semaphore, #tpu.memory_space<semaphore_mem>>)
      %add3A_388 = arith.constant 4 : i32
      %add3A_389 = arith.addi %mul3A_185, %add3A_388 : i32
      %dma_wait3A_390 = arith.constant 0 : i32
      %dma_wait3A_391 = arith.constant 0 : i32
      %dma_wait3A_392 = tpu.memref_slice %arg13[%dma_wait3A_390, %dma_wait3A_391] : memref<2x120xi32, #tpu.memory_space<vmem>> -> memref<1x120xi32, #tpu.memory_space<vmem>>
      %dma_wait3A_393 = tpu.memref_squeeze %dma_wait3A_392 : memref<1x120xi32, #tpu.memory_space<vmem>> -> memref<120xi32, #tpu.memory_space<vmem>>
      %dma_wait3A_394 = arith.constant 0 : i32
      %dma_wait3A_395 = arith.constant 0 : i32
      %dma_wait3A_396 = tpu.memref_slice %arg2[%dma_wait3A_394, %dma_wait3A_395] : memref<10000x128xf32, #tpu.memory_space<hbm>> -> memref<10000x128xf32, #tpu.memory_space<hbm>>
      tpu.wait_indirect_dma semaphore(%arg17 : memref<!tpu.dma_semaphore, #tpu.memory_space<semaphore_mem>>) src(%dma_wait3A_396 : memref<10000x128xf32, #tpu.memory_space<hbm>>) dst(%arg7 : memref<120x128xf32, #tpu.memory_space<vmem>>)
      %dma_start3A_397 = arith.constant 1 : i32
      %dma_start3A_398 = arith.constant 0 : i32
      %dma_start3A_399 = tpu.memref_slice %arg13[%dma_start3A_397, %dma_start3A_398] : memref<2x120xi32, #tpu.memory_space<vmem>> -> memref<1x120xi32, #tpu.memory_space<vmem>>
      %dma_start3A_400 = tpu.memref_squeeze %dma_start3A_399 : memref<1x120xi32, #tpu.memory_space<vmem>> -> memref<120xi32, #tpu.memory_space<vmem>>
      %dma_start3A_401 = arith.constant 0 : i32
      %dma_start3A_402 = arith.constant 0 : i32
      %dma_start3A_403 = tpu.memref_slice %arg15[%dma_start3A_401, %dma_start3A_402] : memref<10112x128xf32, #tpu.memory_space<vmem_shared>> -> memref<10112x128xf32, #tpu.memory_space<vmem_shared>>
      tpu.enqueue_indirect_dma source(%arg7 : memref<120x128xf32, #tpu.memory_space<vmem>>) target(%dma_start3A_403 : memref<10112x128xf32, #tpu.memory_space<vmem_shared>>) offsets(%dma_start3A_400 : memref<120xi32, #tpu.memory_space<vmem>>) semaphore(%arg20 : memref<!tpu.dma_semaphore, #tpu.memory_space<semaphore_mem>>) {add = true}
      %dma_wait3A_404 = arith.constant 1 : i32
      %dma_wait3A_405 = arith.constant 0 : i32
      %dma_wait3A_406 = tpu.memref_slice %arg13[%dma_wait3A_404, %dma_wait3A_405] : memref<2x120xi32, #tpu.memory_space<vmem>> -> memref<1x120xi32, #tpu.memory_space<vmem>>
      %dma_wait3A_407 = tpu.memref_squeeze %dma_wait3A_406 : memref<1x120xi32, #tpu.memory_space<vmem>> -> memref<120xi32, #tpu.memory_space<vmem>>
      %dma_wait3A_408 = arith.constant 0 : i32
      %dma_wait3A_409 = arith.constant 0 : i32
      %dma_wait3A_410 = tpu.memref_slice %arg15[%dma_wait3A_408, %dma_wait3A_409] : memref<10112x128xf32, #tpu.memory_space<vmem_shared>> -> memref<10112x128xf32, #tpu.memory_space<vmem_shared>>
      tpu.wait_indirect_dma semaphore(%arg20 : memref<!tpu.dma_semaphore, #tpu.memory_space<semaphore_mem>>) src(%arg7 : memref<120x128xf32, #tpu.memory_space<vmem>>) dst(%dma_wait3A_410 : memref<10112x128xf32, #tpu.memory_space<vmem_shared>>)
      %add3A_411 = arith.constant 6 : i32
      %add3A_412 = arith.addi %add3A_389, %add3A_411 : i32
      %sub3A_413 = arith.constant 1 : i32
      %sub3A_414 = arith.subi %select_n3A, %sub3A_413 : i32
      %min3A_415 = arith.minsi %add3A_412, %sub3A_414 : i32
      %dma_start3A_416 = arith.constant 0 : i32
      %dma_start3A_417 = arith.constant 0 : i32
      %dma_start3A_418 = tpu.memref_slice %arg3[%arg0, %arg1, %min3A_415, %dma_start3A_416, %dma_start3A_417] : memref<2x16x144x2x120xi32, #tpu.memory_space<hbm>> -> memref<1x1x1x2x120xi32, #tpu.memory_space<hbm>>
      %dma_start3A_419 = tpu.memref_squeeze %dma_start3A_418 : memref<1x1x1x2x120xi32, #tpu.memory_space<hbm>> -> memref<2x120xi32, #tpu.memory_space<hbm>>
      %dma_start3A_420 = arith.constant 0 : i32
      %dma_start3A_421 = arith.constant 0 : i32
      %dma_start3A_422 = tpu.memref_slice %arg3[%arg0, %arg1, %min3A_415, %dma_start3A_420, %dma_start3A_421] : memref<2x16x144x2x120xi32, #tpu.memory_space<hbm>> -> memref<1x1x1x2x120xi32, #tpu.memory_space<hbm>>
      %dma_start3A_423 = tpu.memref_squeeze %dma_start3A_422 : memref<1x1x1x2x120xi32, #tpu.memory_space<hbm>> -> memref<2x120xi32, #tpu.memory_space<hbm>>
      tpu.enqueue_dma source(%dma_start3A_423 : memref<2x120xi32, #tpu.memory_space<hbm>>) target(%arg13 : memref<2x120xi32, #tpu.memory_space<vmem>>) target_semaphore(%arg26 : memref<!tpu.dma_semaphore, #tpu.memory_space<semaphore_mem>>)
      %dma_wait3A_424 = arith.constant 0 : i32
      %dma_wait3A_425 = arith.constant 0 : i32
      %dma_wait3A_426 = tpu.memref_slice %arg3[%arg0, %arg1, %add3A_389, %dma_wait3A_424, %dma_wait3A_425] : memref<2x16x144x2x120xi32, #tpu.memory_space<hbm>> -> memref<1x1x1x2x120xi32, #tpu.memory_space<hbm>>
      %dma_wait3A_427 = tpu.memref_squeeze %dma_wait3A_426 : memref<1x1x1x2x120xi32, #tpu.memory_space<hbm>> -> memref<2x120xi32, #tpu.memory_space<hbm>>
      %dma_wait3A_428 = arith.constant 0 : i32
      %dma_wait3A_429 = arith.constant 0 : i32
      %dma_wait3A_430 = tpu.memref_slice %arg3[%arg0, %arg1, %add3A_389, %dma_wait3A_428, %dma_wait3A_429] : memref<2x16x144x2x120xi32, #tpu.memory_space<hbm>> -> memref<1x1x1x2x120xi32, #tpu.memory_space<hbm>>
      %dma_wait3A_431 = tpu.memref_squeeze %dma_wait3A_430 : memref<1x1x1x2x120xi32, #tpu.memory_space<hbm>> -> memref<2x120xi32, #tpu.memory_space<hbm>>
      tpu.wait_dma2 semaphore(%arg23 : memref<!tpu.dma_semaphore, #tpu.memory_space<semaphore_mem>>) src(%dma_wait3A_431 : memref<2x120xi32, #tpu.memory_space<hbm>>) dst(%arg10 : memref<2x120xi32, #tpu.memory_space<vmem>>)
      %dma_start3A_432 = arith.constant 0 : i32
      %dma_start3A_433 = arith.constant 0 : i32
      %dma_start3A_434 = tpu.memref_slice %arg10[%dma_start3A_432, %dma_start3A_433] : memref<2x120xi32, #tpu.memory_space<vmem>> -> memref<1x120xi32, #tpu.memory_space<vmem>>
      %dma_start3A_435 = tpu.memref_squeeze %dma_start3A_434 : memref<1x120xi32, #tpu.memory_space<vmem>> -> memref<120xi32, #tpu.memory_space<vmem>>
      %dma_start3A_436 = arith.constant 0 : i32
      %dma_start3A_437 = arith.constant 0 : i32
      %dma_start3A_438 = tpu.memref_slice %arg2[%dma_start3A_436, %dma_start3A_437] : memref<10000x128xf32, #tpu.memory_space<hbm>> -> memref<10000x128xf32, #tpu.memory_space<hbm>>
      tpu.enqueue_indirect_dma source(%dma_start3A_438 : memref<10000x128xf32, #tpu.memory_space<hbm>>) target(%arg7 : memref<120x128xf32, #tpu.memory_space<vmem>>) offsets(%dma_start3A_435 : memref<120xi32, #tpu.memory_space<vmem>>) semaphore(%arg17 : memref<!tpu.dma_semaphore, #tpu.memory_space<semaphore_mem>>)
      %add3A_439 = arith.constant 5 : i32
      %add3A_440 = arith.addi %mul3A_185, %add3A_439 : i32
      %dma_wait3A_441 = arith.constant 0 : i32
      %dma_wait3A_442 = arith.constant 0 : i32
      %dma_wait3A_443 = tpu.memref_slice %arg14[%dma_wait3A_441, %dma_wait3A_442] : memref<2x120xi32, #tpu.memory_space<vmem>> -> memref<1x120xi32, #tpu.memory_space<vmem>>
      %dma_wait3A_444 = tpu.memref_squeeze %dma_wait3A_443 : memref<1x120xi32, #tpu.memory_space<vmem>> -> memref<120xi32, #tpu.memory_space<vmem>>
      %dma_wait3A_445 = arith.constant 0 : i32
      %dma_wait3A_446 = arith.constant 0 : i32
      %dma_wait3A_447 = tpu.memref_slice %arg2[%dma_wait3A_445, %dma_wait3A_446] : memref<10000x128xf32, #tpu.memory_space<hbm>> -> memref<10000x128xf32, #tpu.memory_space<hbm>>
      tpu.wait_indirect_dma semaphore(%arg18 : memref<!tpu.dma_semaphore, #tpu.memory_space<semaphore_mem>>) src(%dma_wait3A_447 : memref<10000x128xf32, #tpu.memory_space<hbm>>) dst(%arg8 : memref<120x128xf32, #tpu.memory_space<vmem>>)
      %dma_start3A_448 = arith.constant 1 : i32
      %dma_start3A_449 = arith.constant 0 : i32
      %dma_start3A_450 = tpu.memref_slice %arg14[%dma_start3A_448, %dma_start3A_449] : memref<2x120xi32, #tpu.memory_space<vmem>> -> memref<1x120xi32, #tpu.memory_space<vmem>>
      %dma_start3A_451 = tpu.memref_squeeze %dma_start3A_450 : memref<1x120xi32, #tpu.memory_space<vmem>> -> memref<120xi32, #tpu.memory_space<vmem>>
      %dma_start3A_452 = arith.constant 0 : i32
      %dma_start3A_453 = arith.constant 0 : i32
      %dma_start3A_454 = tpu.memref_slice %arg15[%dma_start3A_452, %dma_start3A_453] : memref<10112x128xf32, #tpu.memory_space<vmem_shared>> -> memref<10112x128xf32, #tpu.memory_space<vmem_shared>>
      tpu.enqueue_indirect_dma source(%arg8 : memref<120x128xf32, #tpu.memory_space<vmem>>) target(%dma_start3A_454 : memref<10112x128xf32, #tpu.memory_space<vmem_shared>>) offsets(%dma_start3A_451 : memref<120xi32, #tpu.memory_space<vmem>>) semaphore(%arg21 : memref<!tpu.dma_semaphore, #tpu.memory_space<semaphore_mem>>) {add = true}
      %dma_wait3A_455 = arith.constant 1 : i32
      %dma_wait3A_456 = arith.constant 0 : i32
      %dma_wait3A_457 = tpu.memref_slice %arg14[%dma_wait3A_455, %dma_wait3A_456] : memref<2x120xi32, #tpu.memory_space<vmem>> -> memref<1x120xi32, #tpu.memory_space<vmem>>
      %dma_wait3A_458 = tpu.memref_squeeze %dma_wait3A_457 : memref<1x120xi32, #tpu.memory_space<vmem>> -> memref<120xi32, #tpu.memory_space<vmem>>
      %dma_wait3A_459 = arith.constant 0 : i32
      %dma_wait3A_460 = arith.constant 0 : i32
      %dma_wait3A_461 = tpu.memref_slice %arg15[%dma_wait3A_459, %dma_wait3A_460] : memref<10112x128xf32, #tpu.memory_space<vmem_shared>> -> memref<10112x128xf32, #tpu.memory_space<vmem_shared>>
      tpu.wait_indirect_dma semaphore(%arg21 : memref<!tpu.dma_semaphore, #tpu.memory_space<semaphore_mem>>) src(%arg8 : memref<120x128xf32, #tpu.memory_space<vmem>>) dst(%dma_wait3A_461 : memref<10112x128xf32, #tpu.memory_space<vmem_shared>>)
      %add3A_462 = arith.constant 6 : i32
      %add3A_463 = arith.addi %add3A_440, %add3A_462 : i32
      %sub3A_464 = arith.constant 1 : i32
      %sub3A_465 = arith.subi %select_n3A, %sub3A_464 : i32
      %min3A_466 = arith.minsi %add3A_463, %sub3A_465 : i32
      %dma_start3A_467 = arith.constant 0 : i32
      %dma_start3A_468 = arith.constant 0 : i32
      %dma_start3A_469 = tpu.memref_slice %arg3[%arg0, %arg1, %min3A_466, %dma_start3A_467, %dma_start3A_468] : memref<2x16x144x2x120xi32, #tpu.memory_space<hbm>> -> memref<1x1x1x2x120xi32, #tpu.memory_space<hbm>>
      %dma_start3A_470 = tpu.memref_squeeze %dma_start3A_469 : memref<1x1x1x2x120xi32, #tpu.memory_space<hbm>> -> memref<2x120xi32, #tpu.memory_space<hbm>>
      %dma_start3A_471 = arith.constant 0 : i32
      %dma_start3A_472 = arith.constant 0 : i32
      %dma_start3A_473 = tpu.memref_slice %arg3[%arg0, %arg1, %min3A_466, %dma_start3A_471, %dma_start3A_472] : memref<2x16x144x2x120xi32, #tpu.memory_space<hbm>> -> memref<1x1x1x2x120xi32, #tpu.memory_space<hbm>>
      %dma_start3A_474 = tpu.memref_squeeze %dma_start3A_473 : memref<1x1x1x2x120xi32, #tpu.memory_space<hbm>> -> memref<2x120xi32, #tpu.memory_space<hbm>>
      tpu.enqueue_dma source(%dma_start3A_474 : memref<2x120xi32, #tpu.memory_space<hbm>>) target(%arg14 : memref<2x120xi32, #tpu.memory_space<vmem>>) target_semaphore(%arg27 : memref<!tpu.dma_semaphore, #tpu.memory_space<semaphore_mem>>)
      %dma_wait3A_475 = arith.constant 0 : i32
      %dma_wait3A_476 = arith.constant 0 : i32
      %dma_wait3A_477 = tpu.memref_slice %arg3[%arg0, %arg1, %add3A_440, %dma_wait3A_475, %dma_wait3A_476] : memref<2x16x144x2x120xi32, #tpu.memory_space<hbm>> -> memref<1x1x1x2x120xi32, #tpu.memory_space<hbm>>
      %dma_wait3A_478 = tpu.memref_squeeze %dma_wait3A_477 : memref<1x1x1x2x120xi32, #tpu.memory_space<hbm>> -> memref<2x120xi32, #tpu.memory_space<hbm>>
      %dma_wait3A_479 = arith.constant 0 : i32
      %dma_wait3A_480 = arith.constant 0 : i32
      %dma_wait3A_481 = tpu.memref_slice %arg3[%arg0, %arg1, %add3A_440, %dma_wait3A_479, %dma_wait3A_480] : memref<2x16x144x2x120xi32, #tpu.memory_space<hbm>> -> memref<1x1x1x2x120xi32, #tpu.memory_space<hbm>>
      %dma_wait3A_482 = tpu.memref_squeeze %dma_wait3A_481 : memref<1x1x1x2x120xi32, #tpu.memory_space<hbm>> -> memref<2x120xi32, #tpu.memory_space<hbm>>
      tpu.wait_dma2 semaphore(%arg24 : memref<!tpu.dma_semaphore, #tpu.memory_space<semaphore_mem>>) src(%dma_wait3A_482 : memref<2x120xi32, #tpu.memory_space<hbm>>) dst(%arg11 : memref<2x120xi32, #tpu.memory_space<vmem>>)
      %dma_start3A_483 = arith.constant 0 : i32
      %dma_start3A_484 = arith.constant 0 : i32
      %dma_start3A_485 = tpu.memref_slice %arg11[%dma_start3A_483, %dma_start3A_484] : memref<2x120xi32, #tpu.memory_space<vmem>> -> memref<1x120xi32, #tpu.memory_space<vmem>>
      %dma_start3A_486 = tpu.memref_squeeze %dma_start3A_485 : memref<1x120xi32, #tpu.memory_space<vmem>> -> memref<120xi32, #tpu.memory_space<vmem>>
      %dma_start3A_487 = arith.constant 0 : i32
      %dma_start3A_488 = arith.constant 0 : i32
      %dma_start3A_489 = tpu.memref_slice %arg2[%dma_start3A_487, %dma_start3A_488] : memref<10000x128xf32, #tpu.memory_space<hbm>> -> memref<10000x128xf32, #tpu.memory_space<hbm>>
      tpu.enqueue_indirect_dma source(%dma_start3A_489 : memref<10000x128xf32, #tpu.memory_space<hbm>>) target(%arg8 : memref<120x128xf32, #tpu.memory_space<vmem>>) offsets(%dma_start3A_486 : memref<120xi32, #tpu.memory_space<vmem>>) semaphore(%arg18 : memref<!tpu.dma_semaphore, #tpu.memory_space<semaphore_mem>>)
    }
    %while3A_129 = arith.constant 1 : i32
    scf.for %while3A_181 = %while3A_127 to %while3A_123 step %while3A_129  : i32 {
      %mul3A_182 = arith.constant 2 : i32
      %mul3A_183 = arith.muli %while3A_181, %mul3A_182 : i32
      %mul3A_184 = arith.constant 3 : i32
      %mul3A_185 = arith.muli %mul3A_183, %mul3A_184 : i32
      %add3A = arith.constant 0 : i32
      %add3A_186 = arith.addi %mul3A_185, %add3A : i32
      %dma_wait3A_187 = arith.constant 0 : i32
      %dma_wait3A_188 = arith.constant 0 : i32
      %dma_wait3A_189 = tpu.memref_slice %arg9[%dma_wait3A_187, %dma_wait3A_188] : memref<2x120xi32, #tpu.memory_space<vmem>> -> memref<1x120xi32, #tpu.memory_space<vmem>>
      %dma_wait3A_190 = tpu.memref_squeeze %dma_wait3A_189 : memref<1x120xi32, #tpu.memory_space<vmem>> -> memref<120xi32, #tpu.memory_space<vmem>>
      %dma_wait3A_191 = arith.constant 0 : i32
      %dma_wait3A_192 = arith.constant 0 : i32
      %dma_wait3A_193 = tpu.memref_slice %arg2[%dma_wait3A_191, %dma_wait3A_192] : memref<10000x128xf32, #tpu.memory_space<hbm>> -> memref<10000x128xf32, #tpu.memory_space<hbm>>
      tpu.wait_indirect_dma semaphore(%arg16 : memref<!tpu.dma_semaphore, #tpu.memory_space<semaphore_mem>>) src(%dma_wait3A_193 : memref<10000x128xf32, #tpu.memory_space<hbm>>) dst(%arg6 : memref<120x128xf32, #tpu.memory_space<vmem>>)
      %dma_start3A_194 = arith.constant 1 : i32
      %dma_start3A_195 = arith.constant 0 : i32
      %dma_start3A_196 = tpu.memref_slice %arg9[%dma_start3A_194, %dma_start3A_195] : memref<2x120xi32, #tpu.memory_space<vmem>> -> memref<1x120xi32, #tpu.memory_space<vmem>>
      %dma_start3A_197 = tpu.memref_squeeze %dma_start3A_196 : memref<1x120xi32, #tpu.memory_space<vmem>> -> memref<120xi32, #tpu.memory_space<vmem>>
      %dma_start3A_198 = arith.constant 0 : i32
      %dma_start3A_199 = arith.constant 0 : i32
      %dma_start3A_200 = tpu.memref_slice %arg15[%dma_start3A_198, %dma_start3A_199] : memref<10112x128xf32, #tpu.memory_space<vmem_shared>> -> memref<10112x128xf32, #tpu.memory_space<vmem_shared>>
      tpu.enqueue_indirect_dma source(%arg6 : memref<120x128xf32, #tpu.memory_space<vmem>>) target(%dma_start3A_200 : memref<10112x128xf32, #tpu.memory_space<vmem_shared>>) offsets(%dma_start3A_197 : memref<120xi32, #tpu.memory_space<vmem>>) semaphore(%arg19 : memref<!tpu.dma_semaphore, #tpu.memory_space<semaphore_mem>>) {add = true}
      %dma_wait3A_201 = arith.constant 1 : i32
      %dma_wait3A_202 = arith.constant 0 : i32
      %dma_wait3A_203 = tpu.memref_slice %arg9[%dma_wait3A_201, %dma_wait3A_202] : memref<2x120xi32, #tpu.memory_space<vmem>> -> memref<1x120xi32, #tpu.memory_space<vmem>>
      %dma_wait3A_204 = tpu.memref_squeeze %dma_wait3A_203 : memref<1x120xi32, #tpu.memory_space<vmem>> -> memref<120xi32, #tpu.memory_space<vmem>>
      %dma_wait3A_205 = arith.constant 0 : i32
      %dma_wait3A_206 = arith.constant 0 : i32
      %dma_wait3A_207 = tpu.memref_slice %arg15[%dma_wait3A_205, %dma_wait3A_206] : memref<10112x128xf32, #tpu.memory_space<vmem_shared>> -> memref<10112x128xf32, #tpu.memory_space<vmem_shared>>
      tpu.wait_indirect_dma semaphore(%arg19 : memref<!tpu.dma_semaphore, #tpu.memory_space<semaphore_mem>>) src(%arg6 : memref<120x128xf32, #tpu.memory_space<vmem>>) dst(%dma_wait3A_207 : memref<10112x128xf32, #tpu.memory_space<vmem_shared>>)
      %add3A_208 = arith.constant 6 : i32
      %add3A_209 = arith.addi %add3A_186, %add3A_208 : i32
      %sub3A_210 = arith.constant 1 : i32
      %sub3A_211 = arith.subi %select_n3A, %sub3A_210 : i32
      %min3A = arith.minsi %add3A_209, %sub3A_211 : i32
      %dma_start3A_212 = arith.constant 0 : i32
      %dma_start3A_213 = arith.constant 0 : i32
      %dma_start3A_214 = tpu.memref_slice %arg3[%arg0, %arg1, %min3A, %dma_start3A_212, %dma_start3A_213] : memref<2x16x144x2x120xi32, #tpu.memory_space<hbm>> -> memref<1x1x1x2x120xi32, #tpu.memory_space<hbm>>
      %dma_start3A_215 = tpu.memref_squeeze %dma_start3A_214 : memref<1x1x1x2x120xi32, #tpu.memory_space<hbm>> -> memref<2x120xi32, #tpu.memory_space<hbm>>
      %dma_start3A_216 = arith.constant 0 : i32
      %dma_start3A_217 = arith.constant 0 : i32
      %dma_start3A_218 = tpu.memref_slice %arg3[%arg0, %arg1, %min3A, %dma_start3A_216, %dma_start3A_217] : memref<2x16x144x2x120xi32, #tpu.memory_space<hbm>> -> memref<1x1x1x2x120xi32, #tpu.memory_space<hbm>>
      %dma_start3A_219 = tpu.memref_squeeze %dma_start3A_218 : memref<1x1x1x2x120xi32, #tpu.memory_space<hbm>> -> memref<2x120xi32, #tpu.memory_space<hbm>>
      tpu.enqueue_dma source(%dma_start3A_219 : memref<2x120xi32, #tpu.memory_space<hbm>>) target(%arg9 : memref<2x120xi32, #tpu.memory_space<vmem>>) target_semaphore(%arg22 : memref<!tpu.dma_semaphore, #tpu.memory_space<semaphore_mem>>)
      %dma_wait3A_220 = arith.constant 0 : i32
      %dma_wait3A_221 = arith.constant 0 : i32
      %dma_wait3A_222 = tpu.memref_slice %arg3[%arg0, %arg1, %add3A_186, %dma_wait3A_220, %dma_wait3A_221] : memref<2x16x144x2x120xi32, #tpu.memory_space<hbm>> -> memref<1x1x1x2x120xi32, #tpu.memory_space<hbm>>
      %dma_wait3A_223 = tpu.memref_squeeze %dma_wait3A_222 : memref<1x1x1x2x120xi32, #tpu.memory_space<hbm>> -> memref<2x120xi32, #tpu.memory_space<hbm>>
      %dma_wait3A_224 = arith.constant 0 : i32
      %dma_wait3A_225 = arith.constant 0 : i32
      %dma_wait3A_226 = tpu.memref_slice %arg3[%arg0, %arg1, %add3A_186, %dma_wait3A_224, %dma_wait3A_225] : memref<2x16x144x2x120xi32, #tpu.memory_space<hbm>> -> memref<1x1x1x2x120xi32, #tpu.memory_space<hbm>>
      %dma_wait3A_227 = tpu.memref_squeeze %dma_wait3A_226 : memref<1x1x1x2x120xi32, #tpu.memory_space<hbm>> -> memref<2x120xi32, #tpu.memory_space<hbm>>
      tpu.wait_dma2 semaphore(%arg25 : memref<!tpu.dma_semaphore, #tpu.memory_space<semaphore_mem>>) src(%dma_wait3A_227 : memref<2x120xi32, #tpu.memory_space<hbm>>) dst(%arg12 : memref<2x120xi32, #tpu.memory_space<vmem>>)
      %dma_start3A_228 = arith.constant 0 : i32
      %dma_start3A_229 = arith.constant 0 : i32
      %dma_start3A_230 = tpu.memref_slice %arg12[%dma_start3A_228, %dma_start3A_229] : memref<2x120xi32, #tpu.memory_space<vmem>> -> memref<1x120xi32, #tpu.memory_space<vmem>>
      %dma_start3A_231 = tpu.memref_squeeze %dma_start3A_230 : memref<1x120xi32, #tpu.memory_space<vmem>> -> memref<120xi32, #tpu.memory_space<vmem>>
      %dma_start3A_232 = arith.constant 0 : i32
      %dma_start3A_233 = arith.constant 0 : i32
      %dma_start3A_234 = tpu.memref_slice %arg2[%dma_start3A_232, %dma_start3A_233] : memref<10000x128xf32, #tpu.memory_space<hbm>> -> memref<10000x128xf32, #tpu.memory_space<hbm>>
      tpu.enqueue_indirect_dma source(%dma_start3A_234 : memref<10000x128xf32, #tpu.memory_space<hbm>>) target(%arg6 : memref<120x128xf32, #tpu.memory_space<vmem>>) offsets(%dma_start3A_231 : memref<120xi32, #tpu.memory_space<vmem>>) semaphore(%arg16 : memref<!tpu.dma_semaphore, #tpu.memory_space<semaphore_mem>>)
      %add3A_235 = arith.constant 1 : i32
      %add3A_236 = arith.addi %mul3A_185, %add3A_235 : i32
      %dma_wait3A_237 = arith.constant 0 : i32
      %dma_wait3A_238 = arith.constant 0 : i32
      %dma_wait3A_239 = tpu.memref_slice %arg10[%dma_wait3A_237, %dma_wait3A_238] : memref<2x120xi32, #tpu.memory_space<vmem>> -> memref<1x120xi32, #tpu.memory_space<vmem>>
      %dma_wait3A_240 = tpu.memref_squeeze %dma_wait3A_239 : memref<1x120xi32, #tpu.memory_space<vmem>> -> memref<120xi32, #tpu.memory_space<vmem>>
      %dma_wait3A_241 = arith.constant 0 : i32
      %dma_wait3A_242 = arith.constant 0 : i32
      %dma_wait3A_243 = tpu.memref_slice %arg2[%dma_wait3A_241, %dma_wait3A_242] : memref<10000x128xf32, #tpu.memory_space<hbm>> -> memref<10000x128xf32, #tpu.memory_space<hbm>>
      tpu.wait_indirect_dma semaphore(%arg17 : memref<!tpu.dma_semaphore, #tpu.memory_space<semaphore_mem>>) src(%dma_wait3A_243 : memref<10000x128xf32, #tpu.memory_space<hbm>>) dst(%arg7 : memref<120x128xf32, #tpu.memory_space<vmem>>)
      %dma_start3A_244 = arith.constant 1 : i32
      %dma_start3A_245 = arith.constant 0 : i32
      %dma_start3A_246 = tpu.memref_slice %arg10[%dma_start3A_244, %dma_start3A_245] : memref<2x120xi32, #tpu.memory_space<vmem>> -> memref<1x120xi32, #tpu.memory_space<vmem>>
      %dma_start3A_247 = tpu.memref_squeeze %dma_start3A_246 : memref<1x120xi32, #tpu.memory_space<vmem>> -> memref<120xi32, #tpu.memory_space<vmem>>
      %dma_start3A_248 = arith.constant 0 : i32
      %dma_start3A_249 = arith.constant 0 : i32
      %dma_start3A_250 = tpu.memref_slice %arg15[%dma_start3A_248, %dma_start3A_249] : memref<10112x128xf32, #tpu.memory_space<vmem_shared>> -> memref<10112x128xf32, #tpu.memory_space<vmem_shared>>
      tpu.enqueue_indirect_dma source(%arg7 : memref<120x128xf32, #tpu.memory_space<vmem>>) target(%dma_start3A_250 : memref<10112x128xf32, #tpu.memory_space<vmem_shared>>) offsets(%dma_start3A_247 : memref<120xi32, #tpu.memory_space<vmem>>) semaphore(%arg20 : memref<!tpu.dma_semaphore, #tpu.memory_space<semaphore_mem>>) {add = true}
      %dma_wait3A_251 = arith.constant 1 : i32
      %dma_wait3A_252 = arith.constant 0 : i32
      %dma_wait3A_253 = tpu.memref_slice %arg10[%dma_wait3A_251, %dma_wait3A_252] : memref<2x120xi32, #tpu.memory_space<vmem>> -> memref<1x120xi32, #tpu.memory_space<vmem>>
      %dma_wait3A_254 = tpu.memref_squeeze %dma_wait3A_253 : memref<1x120xi32, #tpu.memory_space<vmem>> -> memref<120xi32, #tpu.memory_space<vmem>>
      %dma_wait3A_255 = arith.constant 0 : i32
      %dma_wait3A_256 = arith.constant 0 : i32
      %dma_wait3A_257 = tpu.memref_slice %arg15[%dma_wait3A_255, %dma_wait3A_256] : memref<10112x128xf32, #tpu.memory_space<vmem_shared>> -> memref<10112x128xf32, #tpu.memory_space<vmem_shared>>
      tpu.wait_indirect_dma semaphore(%arg20 : memref<!tpu.dma_semaphore, #tpu.memory_space<semaphore_mem>>) src(%arg7 : memref<120x128xf32, #tpu.memory_space<vmem>>) dst(%dma_wait3A_257 : memref<10112x128xf32, #tpu.memory_space<vmem_shared>>)
      %add3A_258 = arith.constant 6 : i32
      %add3A_259 = arith.addi %add3A_236, %add3A_258 : i32
      %sub3A_260 = arith.constant 1 : i32
      %sub3A_261 = arith.subi %select_n3A, %sub3A_260 : i32
      %min3A_262 = arith.minsi %add3A_259, %sub3A_261 : i32
      %dma_start3A_263 = arith.constant 0 : i32
      %dma_start3A_264 = arith.constant 0 : i32
      %dma_start3A_265 = tpu.memref_slice %arg3[%arg0, %arg1, %min3A_262, %dma_start3A_263, %dma_start3A_264] : memref<2x16x144x2x120xi32, #tpu.memory_space<hbm>> -> memref<1x1x1x2x120xi32, #tpu.memory_space<hbm>>
      %dma_start3A_266 = tpu.memref_squeeze %dma_start3A_265 : memref<1x1x1x2x120xi32, #tpu.memory_space<hbm>> -> memref<2x120xi32, #tpu.memory_space<hbm>>
      %dma_start3A_267 = arith.constant 0 : i32
      %dma_start3A_268 = arith.constant 0 : i32
      %dma_start3A_269 = tpu.memref_slice %arg3[%arg0, %arg1, %min3A_262, %dma_start3A_267, %dma_start3A_268] : memref<2x16x144x2x120xi32, #tpu.memory_space<hbm>> -> memref<1x1x1x2x120xi32, #tpu.memory_space<hbm>>
      %dma_start3A_270 = tpu.memref_squeeze %dma_start3A_269 : memref<1x1x1x2x120xi32, #tpu.memory_space<hbm>> -> memref<2x120xi32, #tpu.memory_space<hbm>>
      tpu.enqueue_dma source(%dma_start3A_270 : memref<2x120xi32, #tpu.memory_space<hbm>>) target(%arg10 : memref<2x120xi32, #tpu.memory_space<vmem>>) target_semaphore(%arg23 : memref<!tpu.dma_semaphore, #tpu.memory_space<semaphore_mem>>)
      %dma_wait3A_271 = arith.constant 0 : i32
      %dma_wait3A_272 = arith.constant 0 : i32
      %dma_wait3A_273 = tpu.memref_slice %arg3[%arg0, %arg1, %add3A_236, %dma_wait3A_271, %dma_wait3A_272] : memref<2x16x144x2x120xi32, #tpu.memory_space<hbm>> -> memref<1x1x1x2x120xi32, #tpu.memory_space<hbm>>
      %dma_wait3A_274 = tpu.memref_squeeze %dma_wait3A_273 : memref<1x1x1x2x120xi32, #tpu.memory_space<hbm>> -> memref<2x120xi32, #tpu.memory_space<hbm>>
      %dma_wait3A_275 = arith.constant 0 : i32
      %dma_wait3A_276 = arith.constant 0 : i32
      %dma_wait3A_277 = tpu.memref_slice %arg3[%arg0, %arg1, %add3A_236, %dma_wait3A_275, %dma_wait3A_276] : memref<2x16x144x2x120xi32, #tpu.memory_space<hbm>> -> memref<1x1x1x2x120xi32, #tpu.memory_space<hbm>>
      %dma_wait3A_278 = tpu.memref_squeeze %dma_wait3A_277 : memref<1x1x1x2x120xi32, #tpu.memory_space<hbm>> -> memref<2x120xi32, #tpu.memory_space<hbm>>
      tpu.wait_dma2 semaphore(%arg26 : memref<!tpu.dma_semaphore, #tpu.memory_space<semaphore_mem>>) src(%dma_wait3A_278 : memref<2x120xi32, #tpu.memory_space<hbm>>) dst(%arg13 : memref<2x120xi32, #tpu.memory_space<vmem>>)
      %dma_start3A_279 = arith.constant 0 : i32
      %dma_start3A_280 = arith.constant 0 : i32
      %dma_start3A_281 = tpu.memref_slice %arg13[%dma_start3A_279, %dma_start3A_280] : memref<2x120xi32, #tpu.memory_space<vmem>> -> memref<1x120xi32, #tpu.memory_space<vmem>>
      %dma_start3A_282 = tpu.memref_squeeze %dma_start3A_281 : memref<1x120xi32, #tpu.memory_space<vmem>> -> memref<120xi32, #tpu.memory_space<vmem>>
      %dma_start3A_283 = arith.constant 0 : i32
      %dma_start3A_284 = arith.constant 0 : i32
      %dma_start3A_285 = tpu.memref_slice %arg2[%dma_start3A_283, %dma_start3A_284] : memref<10000x128xf32, #tpu.memory_space<hbm>> -> memref<10000x128xf32, #tpu.memory_space<hbm>>
      tpu.enqueue_indirect_dma source(%dma_start3A_285 : memref<10000x128xf32, #tpu.memory_space<hbm>>) target(%arg7 : memref<120x128xf32, #tpu.memory_space<vmem>>) offsets(%dma_start3A_282 : memref<120xi32, #tpu.memory_space<vmem>>) semaphore(%arg17 : memref<!tpu.dma_semaphore, #tpu.memory_space<semaphore_mem>>)
      %add3A_286 = arith.constant 2 : i32
      %add3A_287 = arith.addi %mul3A_185, %add3A_286 : i32
      %dma_wait3A_288 = arith.constant 0 : i32
      %dma_wait3A_289 = arith.constant 0 : i32
      %dma_wait3A_290 = tpu.memref_slice %arg11[%dma_wait3A_288, %dma_wait3A_289] : memref<2x120xi32, #tpu.memory_space<vmem>> -> memref<1x120xi32, #tpu.memory_space<vmem>>
      %dma_wait3A_291 = tpu.memref_squeeze %dma_wait3A_290 : memref<1x120xi32, #tpu.memory_space<vmem>> -> memref<120xi32, #tpu.memory_space<vmem>>
      %dma_wait3A_292 = arith.constant 0 : i32
      %dma_wait3A_293 = arith.constant 0 : i32
      %dma_wait3A_294 = tpu.memref_slice %arg2[%dma_wait3A_292, %dma_wait3A_293] : memref<10000x128xf32, #tpu.memory_space<hbm>> -> memref<10000x128xf32, #tpu.memory_space<hbm>>
      tpu.wait_indirect_dma semaphore(%arg18 : memref<!tpu.dma_semaphore, #tpu.memory_space<semaphore_mem>>) src(%dma_wait3A_294 : memref<10000x128xf32, #tpu.memory_space<hbm>>) dst(%arg8 : memref<120x128xf32, #tpu.memory_space<vmem>>)
      %dma_start3A_295 = arith.constant 1 : i32
      %dma_start3A_296 = arith.constant 0 : i32
      %dma_start3A_297 = tpu.memref_slice %arg11[%dma_start3A_295, %dma_start3A_296] : memref<2x120xi32, #tpu.memory_space<vmem>> -> memref<1x120xi32, #tpu.memory_space<vmem>>
      %dma_start3A_298 = tpu.memref_squeeze %dma_start3A_297 : memref<1x120xi32, #tpu.memory_space<vmem>> -> memref<120xi32, #tpu.memory_space<vmem>>
      %dma_start3A_299 = arith.constant 0 : i32
      %dma_start3A_300 = arith.constant 0 : i32
      %dma_start3A_301 = tpu.memref_slice %arg15[%dma_start3A_299, %dma_start3A_300] : memref<10112x128xf32, #tpu.memory_space<vmem_shared>> -> memref<10112x128xf32, #tpu.memory_space<vmem_shared>>
      tpu.enqueue_indirect_dma source(%arg8 : memref<120x128xf32, #tpu.memory_space<vmem>>) target(%dma_start3A_301 : memref<10112x128xf32, #tpu.memory_space<vmem_shared>>) offsets(%dma_start3A_298 : memref<120xi32, #tpu.memory_space<vmem>>) semaphore(%arg21 : memref<!tpu.dma_semaphore, #tpu.memory_space<semaphore_mem>>) {add = true}
      %dma_wait3A_302 = arith.constant 1 : i32
      %dma_wait3A_303 = arith.constant 0 : i32
      %dma_wait3A_304 = tpu.memref_slice %arg11[%dma_wait3A_302, %dma_wait3A_303] : memref<2x120xi32, #tpu.memory_space<vmem>> -> memref<1x120xi32, #tpu.memory_space<vmem>>
      %dma_wait3A_305 = tpu.memref_squeeze %dma_wait3A_304 : memref<1x120xi32, #tpu.memory_space<vmem>> -> memref<120xi32, #tpu.memory_space<vmem>>
      %dma_wait3A_306 = arith.constant 0 : i32
      %dma_wait3A_307 = arith.constant 0 : i32
      %dma_wait3A_308 = tpu.memref_slice %arg15[%dma_wait3A_306, %dma_wait3A_307] : memref<10112x128xf32, #tpu.memory_space<vmem_shared>> -> memref<10112x128xf32, #tpu.memory_space<vmem_shared>>
      tpu.wait_indirect_dma semaphore(%arg21 : memref<!tpu.dma_semaphore, #tpu.memory_space<semaphore_mem>>) src(%arg8 : memref<120x128xf32, #tpu.memory_space<vmem>>) dst(%dma_wait3A_308 : memref<10112x128xf32, #tpu.memory_space<vmem_shared>>)
      %add3A_309 = arith.constant 6 : i32
      %add3A_310 = arith.addi %add3A_287, %add3A_309 : i32
      %sub3A_311 = arith.constant 1 : i32
      %sub3A_312 = arith.subi %select_n3A, %sub3A_311 : i32
      %min3A_313 = arith.minsi %add3A_310, %sub3A_312 : i32
      %dma_start3A_314 = arith.constant 0 : i32
      %dma_start3A_315 = arith.constant 0 : i32
      %dma_start3A_316 = tpu.memref_slice %arg3[%arg0, %arg1, %min3A_313, %dma_start3A_314, %dma_start3A_315] : memref<2x16x144x2x120xi32, #tpu.memory_space<hbm>> -> memref<1x1x1x2x120xi32, #tpu.memory_space<hbm>>
      %dma_start3A_317 = tpu.memref_squeeze %dma_start3A_316 : memref<1x1x1x2x120xi32, #tpu.memory_space<hbm>> -> memref<2x120xi32, #tpu.memory_space<hbm>>
      %dma_start3A_318 = arith.constant 0 : i32
      %dma_start3A_319 = arith.constant 0 : i32
      %dma_start3A_320 = tpu.memref_slice %arg3[%arg0, %arg1, %min3A_313, %dma_start3A_318, %dma_start3A_319] : memref<2x16x144x2x120xi32, #tpu.memory_space<hbm>> -> memref<1x1x1x2x120xi32, #tpu.memory_space<hbm>>
      %dma_start3A_321 = tpu.memref_squeeze %dma_start3A_320 : memref<1x1x1x2x120xi32, #tpu.memory_space<hbm>> -> memref<2x120xi32, #tpu.memory_space<hbm>>
      tpu.enqueue_dma source(%dma_start3A_321 : memref<2x120xi32, #tpu.memory_space<hbm>>) target(%arg11 : memref<2x120xi32, #tpu.memory_space<vmem>>) target_semaphore(%arg24 : memref<!tpu.dma_semaphore, #tpu.memory_space<semaphore_mem>>)
      %dma_wait3A_322 = arith.constant 0 : i32
      %dma_wait3A_323 = arith.constant 0 : i32
      %dma_wait3A_324 = tpu.memref_slice %arg3[%arg0, %arg1, %add3A_287, %dma_wait3A_322, %dma_wait3A_323] : memref<2x16x144x2x120xi32, #tpu.memory_space<hbm>> -> memref<1x1x1x2x120xi32, #tpu.memory_space<hbm>>
      %dma_wait3A_325 = tpu.memref_squeeze %dma_wait3A_324 : memref<1x1x1x2x120xi32, #tpu.memory_space<hbm>> -> memref<2x120xi32, #tpu.memory_space<hbm>>
      %dma_wait3A_326 = arith.constant 0 : i32
      %dma_wait3A_327 = arith.constant 0 : i32
      %dma_wait3A_328 = tpu.memref_slice %arg3[%arg0, %arg1, %add3A_287, %dma_wait3A_326, %dma_wait3A_327] : memref<2x16x144x2x120xi32, #tpu.memory_space<hbm>> -> memref<1x1x1x2x120xi32, #tpu.memory_space<hbm>>
      %dma_wait3A_329 = tpu.memref_squeeze %dma_wait3A_328 : memref<1x1x1x2x120xi32, #tpu.memory_space<hbm>> -> memref<2x120xi32, #tpu.memory_space<hbm>>
      tpu.wait_dma2 semaphore(%arg27 : memref<!tpu.dma_semaphore, #tpu.memory_space<semaphore_mem>>) src(%dma_wait3A_329 : memref<2x120xi32, #tpu.memory_space<hbm>>) dst(%arg14 : memref<2x120xi32, #tpu.memory_space<vmem>>)
      %dma_start3A_330 = arith.constant 0 : i32
      %dma_start3A_331 = arith.constant 0 : i32
      %dma_start3A_332 = tpu.memref_slice %arg14[%dma_start3A_330, %dma_start3A_331] : memref<2x120xi32, #tpu.memory_space<vmem>> -> memref<1x120xi32, #tpu.memory_space<vmem>>
      %dma_start3A_333 = tpu.memref_squeeze %dma_start3A_332 : memref<1x120xi32, #tpu.memory_space<vmem>> -> memref<120xi32, #tpu.memory_space<vmem>>
      %dma_start3A_334 = arith.constant 0 : i32
      %dma_start3A_335 = arith.constant 0 : i32
      %dma_start3A_336 = tpu.memref_slice %arg2[%dma_start3A_334, %dma_start3A_335] : memref<10000x128xf32, #tpu.memory_space<hbm>> -> memref<10000x128xf32, #tpu.memory_space<hbm>>
      tpu.enqueue_indirect_dma source(%dma_start3A_336 : memref<10000x128xf32, #tpu.memory_space<hbm>>) target(%arg8 : memref<120x128xf32, #tpu.memory_space<vmem>>) offsets(%dma_start3A_333 : memref<120xi32, #tpu.memory_space<vmem>>) semaphore(%arg18 : memref<!tpu.dma_semaphore, #tpu.memory_space<semaphore_mem>>)
      %add3A_337 = arith.constant 3 : i32
      %add3A_338 = arith.addi %mul3A_185, %add3A_337 : i32
      %dma_wait3A_339 = arith.constant 0 : i32
      %dma_wait3A_340 = arith.constant 0 : i32
      %dma_wait3A_341 = tpu.memref_slice %arg12[%dma_wait3A_339, %dma_wait3A_340] : memref<2x120xi32, #tpu.memory_space<vmem>> -> memref<1x120xi32, #tpu.memory_space<vmem>>
      %dma_wait3A_342 = tpu.memref_squeeze %dma_wait3A_341 : memref<1x120xi32, #tpu.memory_space<vmem>> -> memref<120xi32, #tpu.memory_space<vmem>>
      %dma_wait3A_343 = arith.constant 0 : i32
      %dma_wait3A_344 = arith.constant 0 : i32
      %dma_wait3A_345 = tpu.memref_slice %arg2[%dma_wait3A_343, %dma_wait3A_344] : memref<10000x128xf32, #tpu.memory_space<hbm>> -> memref<10000x128xf32, #tpu.memory_space<hbm>>
      tpu.wait_indirect_dma semaphore(%arg16 : memref<!tpu.dma_semaphore, #tpu.memory_space<semaphore_mem>>) src(%dma_wait3A_345 : memref<10000x128xf32, #tpu.memory_space<hbm>>) dst(%arg6 : memref<120x128xf32, #tpu.memory_space<vmem>>)
      %dma_start3A_346 = arith.constant 1 : i32
      %dma_start3A_347 = arith.constant 0 : i32
      %dma_start3A_348 = tpu.memref_slice %arg12[%dma_start3A_346, %dma_start3A_347] : memref<2x120xi32, #tpu.memory_space<vmem>> -> memref<1x120xi32, #tpu.memory_space<vmem>>
      %dma_start3A_349 = tpu.memref_squeeze %dma_start3A_348 : memref<1x120xi32, #tpu.memory_space<vmem>> -> memref<120xi32, #tpu.memory_space<vmem>>
      %dma_start3A_350 = arith.constant 0 : i32
      %dma_start3A_351 = arith.constant 0 : i32
      %dma_start3A_352 = tpu.memref_slice %arg15[%dma_start3A_350, %dma_start3A_351] : memref<10112x128xf32, #tpu.memory_space<vmem_shared>> -> memref<10112x128xf32, #tpu.memory_space<vmem_shared>>
      tpu.enqueue_indirect_dma source(%arg6 : memref<120x128xf32, #tpu.memory_space<vmem>>) target(%dma_start3A_352 : memref<10112x128xf32, #tpu.memory_space<vmem_shared>>) offsets(%dma_start3A_349 : memref<120xi32, #tpu.memory_space<vmem>>) semaphore(%arg19 : memref<!tpu.dma_semaphore, #tpu.memory_space<semaphore_mem>>) {add = true}
      %dma_wait3A_353 = arith.constant 1 : i32
      %dma_wait3A_354 = arith.constant 0 : i32
      %dma_wait3A_355 = tpu.memref_slice %arg12[%dma_wait3A_353, %dma_wait3A_354] : memref<2x120xi32, #tpu.memory_space<vmem>> -> memref<1x120xi32, #tpu.memory_space<vmem>>
      %dma_wait3A_356 = tpu.memref_squeeze %dma_wait3A_355 : memref<1x120xi32, #tpu.memory_space<vmem>> -> memref<120xi32, #tpu.memory_space<vmem>>
      %dma_wait3A_357 = arith.constant 0 : i32
      %dma_wait3A_358 = arith.constant 0 : i32
      %dma_wait3A_359 = tpu.memref_slice %arg15[%dma_wait3A_357, %dma_wait3A_358] : memref<10112x128xf32, #tpu.memory_space<vmem_shared>> -> memref<10112x128xf32, #tpu.memory_space<vmem_shared>>
      tpu.wait_indirect_dma semaphore(%arg19 : memref<!tpu.dma_semaphore, #tpu.memory_space<semaphore_mem>>) src(%arg6 : memref<120x128xf32, #tpu.memory_space<vmem>>) dst(%dma_wait3A_359 : memref<10112x128xf32, #tpu.memory_space<vmem_shared>>)
      %add3A_360 = arith.constant 6 : i32
      %add3A_361 = arith.addi %add3A_338, %add3A_360 : i32
      %sub3A_362 = arith.constant 1 : i32
      %sub3A_363 = arith.subi %select_n3A, %sub3A_362 : i32
      %min3A_364 = arith.minsi %add3A_361, %sub3A_363 : i32
      %dma_start3A_365 = arith.constant 0 : i32
      %dma_start3A_366 = arith.constant 0 : i32
      %dma_start3A_367 = tpu.memref_slice %arg3[%arg0, %arg1, %min3A_364, %dma_start3A_365, %dma_start3A_366] : memref<2x16x144x2x120xi32, #tpu.memory_space<hbm>> -> memref<1x1x1x2x120xi32, #tpu.memory_space<hbm>>
      %dma_start3A_368 = tpu.memref_squeeze %dma_start3A_367 : memref<1x1x1x2x120xi32, #tpu.memory_space<hbm>> -> memref<2x120xi32, #tpu.memory_space<hbm>>
      %dma_start3A_369 = arith.constant 0 : i32
      %dma_start3A_370 = arith.constant 0 : i32
      %dma_start3A_371 = tpu.memref_slice %arg3[%arg0, %arg1, %min3A_364, %dma_start3A_369, %dma_start3A_370] : memref<2x16x144x2x120xi32, #tpu.memory_space<hbm>> -> memref<1x1x1x2x120xi32, #tpu.memory_space<hbm>>
      %dma_start3A_372 = tpu.memref_squeeze %dma_start3A_371 : memref<1x1x1x2x120xi32, #tpu.memory_space<hbm>> -> memref<2x120xi32, #tpu.memory_space<hbm>>
      tpu.enqueue_dma source(%dma_start3A_372 : memref<2x120xi32, #tpu.memory_space<hbm>>) target(%arg12 : memref<2x120xi32, #tpu.memory_space<vmem>>) target_semaphore(%arg25 : memref<!tpu.dma_semaphore, #tpu.memory_space<semaphore_mem>>)
      %dma_wait3A_373 = arith.constant 0 : i32
      %dma_wait3A_374 = arith.constant 0 : i32
      %dma_wait3A_375 = tpu.memref_slice %arg3[%arg0, %arg1, %add3A_338, %dma_wait3A_373, %dma_wait3A_374] : memref<2x16x144x2x120xi32, #tpu.memory_space<hbm>> -> memref<1x1x1x2x120xi32, #tpu.memory_space<hbm>>
      %dma_wait3A_376 = tpu.memref_squeeze %dma_wait3A_375 : memref<1x1x1x2x120xi32, #tpu.memory_space<hbm>> -> memref<2x120xi32, #tpu.memory_space<hbm>>
      %dma_wait3A_377 = arith.constant 0 : i32
      %dma_wait3A_378 = arith.constant 0 : i32
      %dma_wait3A_379 = tpu.memref_slice %arg3[%arg0, %arg1, %add3A_338, %dma_wait3A_377, %dma_wait3A_378] : memref<2x16x144x2x120xi32, #tpu.memory_space<hbm>> -> memref<1x1x1x2x120xi32, #tpu.memory_space<hbm>>
      %dma_wait3A_380 = tpu.memref_squeeze %dma_wait3A_379 : memref<1x1x1x2x120xi32, #tpu.memory_space<hbm>> -> memref<2x120xi32, #tpu.memory_space<hbm>>
      tpu.wait_dma2 semaphore(%arg22 : memref<!tpu.dma_semaphore, #tpu.memory_space<semaphore_mem>>) src(%dma_wait3A_380 : memref<2x120xi32, #tpu.memory_space<hbm>>) dst(%arg9 : memref<2x120xi32, #tpu.memory_space<vmem>>)
      %dma_start3A_381 = arith.constant 0 : i32
      %dma_start3A_382 = arith.constant 0 : i32
      %dma_start3A_383 = tpu.memref_slice %arg9[%dma_start3A_381, %dma_start3A_382] : memref<2x120xi32, #tpu.memory_space<vmem>> -> memref<1x120xi32, #tpu.memory_space<vmem>>
      %dma_start3A_384 = tpu.memref_squeeze %dma_start3A_383 : memref<1x120xi32, #tpu.memory_space<vmem>> -> memref<120xi32, #tpu.memory_space<vmem>>
      %dma_start3A_385 = arith.constant 0 : i32
      %dma_start3A_386 = arith.constant 0 : i32
      %dma_start3A_387 = tpu.memref_slice %arg2[%dma_start3A_385, %dma_start3A_386] : memref<10000x128xf32, #tpu.memory_space<hbm>> -> memref<10000x128xf32, #tpu.memory_space<hbm>>
      tpu.enqueue_indirect_dma source(%dma_start3A_387 : memref<10000x128xf32, #tpu.memory_space<hbm>>) target(%arg6 : memref<120x128xf32, #tpu.memory_space<vmem>>) offsets(%dma_start3A_384 : memref<120xi32, #tpu.memory_space<vmem>>) semaphore(%arg16 : memref<!tpu.dma_semaphore, #tpu.memory_space<semaphore_mem>>)
      %add3A_388 = arith.constant 4 : i32
      %add3A_389 = arith.addi %mul3A_185, %add3A_388 : i32
      %dma_wait3A_390 = arith.constant 0 : i32
      %dma_wait3A_391 = arith.constant 0 : i32
      %dma_wait3A_392 = tpu.memref_slice %arg13[%dma_wait3A_390, %dma_wait3A_391] : memref<2x120xi32, #tpu.memory_space<vmem>> -> memref<1x120xi32, #tpu.memory_space<vmem>>
      %dma_wait3A_393 = tpu.memref_squeeze %dma_wait3A_392 : memref<1x120xi32, #tpu.memory_space<vmem>> -> memref<120xi32, #tpu.memory_space<vmem>>
      %dma_wait3A_394 = arith.constant 0 : i32
      %dma_wait3A_395 = arith.constant 0 : i32
      %dma_wait3A_396 = tpu.memref_slice %arg2[%dma_wait3A_394, %dma_wait3A_395] : memref<10000x128xf32, #tpu.memory_space<hbm>> -> memref<10000x128xf32, #tpu.memory_space<hbm>>
      tpu.wait_indirect_dma semaphore(%arg17 : memref<!tpu.dma_semaphore, #tpu.memory_space<semaphore_mem>>) src(%dma_wait3A_396 : memref<10000x128xf32, #tpu.memory_space<hbm>>) dst(%arg7 : memref<120x128xf32, #tpu.memory_space<vmem>>)
      %dma_start3A_397 = arith.constant 1 : i32
      %dma_start3A_398 = arith.constant 0 : i32
      %dma_start3A_399 = tpu.memref_slice %arg13[%dma_start3A_397, %dma_start3A_398] : memref<2x120xi32, #tpu.memory_space<vmem>> -> memref<1x120xi32, #tpu.memory_space<vmem>>
      %dma_start3A_400 = tpu.memref_squeeze %dma_start3A_399 : memref<1x120xi32, #tpu.memory_space<vmem>> -> memref<120xi32, #tpu.memory_space<vmem>>
      %dma_start3A_401 = arith.constant 0 : i32
      %dma_start3A_402 = arith.constant 0 : i32
      %dma_start3A_403 = tpu.memref_slice %arg15[%dma_start3A_401, %dma_start3A_402] : memref<10112x128xf32, #tpu.memory_space<vmem_shared>> -> memref<10112x128xf32, #tpu.memory_space<vmem_shared>>
      tpu.enqueue_indirect_dma source(%arg7 : memref<120x128xf32, #tpu.memory_space<vmem>>) target(%dma_start3A_403 : memref<10112x128xf32, #tpu.memory_space<vmem_shared>>) offsets(%dma_start3A_400 : memref<120xi32, #tpu.memory_space<vmem>>) semaphore(%arg20 : memref<!tpu.dma_semaphore, #tpu.memory_space<semaphore_mem>>) {add = true}
      %dma_wait3A_404 = arith.constant 1 : i32
      %dma_wait3A_405 = arith.constant 0 : i32
      %dma_wait3A_406 = tpu.memref_slice %arg13[%dma_wait3A_404, %dma_wait3A_405] : memref<2x120xi32, #tpu.memory_space<vmem>> -> memref<1x120xi32, #tpu.memory_space<vmem>>
      %dma_wait3A_407 = tpu.memref_squeeze %dma_wait3A_406 : memref<1x120xi32, #tpu.memory_space<vmem>> -> memref<120xi32, #tpu.memory_space<vmem>>
      %dma_wait3A_408 = arith.constant 0 : i32
      %dma_wait3A_409 = arith.constant 0 : i32
      %dma_wait3A_410 = tpu.memref_slice %arg15[%dma_wait3A_408, %dma_wait3A_409] : memref<10112x128xf32, #tpu.memory_space<vmem_shared>> -> memref<10112x128xf32, #tpu.memory_space<vmem_shared>>
      tpu.wait_indirect_dma semaphore(%arg20 : memref<!tpu.dma_semaphore, #tpu.memory_space<semaphore_mem>>) src(%arg7 : memref<120x128xf32, #tpu.memory_space<vmem>>) dst(%dma_wait3A_410 : memref<10112x128xf32, #tpu.memory_space<vmem_shared>>)
      %add3A_411 = arith.constant 6 : i32
      %add3A_412 = arith.addi %add3A_389, %add3A_411 : i32
      %sub3A_413 = arith.constant 1 : i32
      %sub3A_414 = arith.subi %select_n3A, %sub3A_413 : i32
      %min3A_415 = arith.minsi %add3A_412, %sub3A_414 : i32
      %dma_start3A_416 = arith.constant 0 : i32
      %dma_start3A_417 = arith.constant 0 : i32
      %dma_start3A_418 = tpu.memref_slice %arg3[%arg0, %arg1, %min3A_415, %dma_start3A_416, %dma_start3A_417] : memref<2x16x144x2x120xi32, #tpu.memory_space<hbm>> -> memref<1x1x1x2x120xi32, #tpu.memory_space<hbm>>
      %dma_start3A_419 = tpu.memref_squeeze %dma_start3A_418 : memref<1x1x1x2x120xi32, #tpu.memory_space<hbm>> -> memref<2x120xi32, #tpu.memory_space<hbm>>
      %dma_start3A_420 = arith.constant 0 : i32
      %dma_start3A_421 = arith.constant 0 : i32
      %dma_start3A_422 = tpu.memref_slice %arg3[%arg0, %arg1, %min3A_415, %dma_start3A_420, %dma_start3A_421] : memref<2x16x144x2x120xi32, #tpu.memory_space<hbm>> -> memref<1x1x1x2x120xi32, #tpu.memory_space<hbm>>
      %dma_start3A_423 = tpu.memref_squeeze %dma_start3A_422 : memref<1x1x1x2x120xi32, #tpu.memory_space<hbm>> -> memref<2x120xi32, #tpu.memory_space<hbm>>
      tpu.enqueue_dma source(%dma_start3A_423 : memref<2x120xi32, #tpu.memory_space<hbm>>) target(%arg13 : memref<2x120xi32, #tpu.memory_space<vmem>>) target_semaphore(%arg26 : memref<!tpu.dma_semaphore, #tpu.memory_space<semaphore_mem>>)
      %dma_wait3A_424 = arith.constant 0 : i32
      %dma_wait3A_425 = arith.constant 0 : i32
      %dma_wait3A_426 = tpu.memref_slice %arg3[%arg0, %arg1, %add3A_389, %dma_wait3A_424, %dma_wait3A_425] : memref<2x16x144x2x120xi32, #tpu.memory_space<hbm>> -> memref<1x1x1x2x120xi32, #tpu.memory_space<hbm>>
      %dma_wait3A_427 = tpu.memref_squeeze %dma_wait3A_426 : memref<1x1x1x2x120xi32, #tpu.memory_space<hbm>> -> memref<2x120xi32, #tpu.memory_space<hbm>>
      %dma_wait3A_428 = arith.constant 0 : i32
      %dma_wait3A_429 = arith.constant 0 : i32
      %dma_wait3A_430 = tpu.memref_slice %arg3[%arg0, %arg1, %add3A_389, %dma_wait3A_428, %dma_wait3A_429] : memref<2x16x144x2x120xi32, #tpu.memory_space<hbm>> -> memref<1x1x1x2x120xi32, #tpu.memory_space<hbm>>
      %dma_wait3A_431 = tpu.memref_squeeze %dma_wait3A_430 : memref<1x1x1x2x120xi32, #tpu.memory_space<hbm>> -> memref<2x120xi32, #tpu.memory_space<hbm>>
      tpu.wait_dma2 semaphore(%arg23 : memref<!tpu.dma_semaphore, #tpu.memory_space<semaphore_mem>>) src(%dma_wait3A_431 : memref<2x120xi32, #tpu.memory_space<hbm>>) dst(%arg10 : memref<2x120xi32, #tpu.memory_space<vmem>>)
      %dma_start3A_432 = arith.constant 0 : i32
      %dma_start3A_433 = arith.constant 0 : i32
      %dma_start3A_434 = tpu.memref_slice %arg10[%dma_start3A_432, %dma_start3A_433] : memref<2x120xi32, #tpu.memory_space<vmem>> -> memref<1x120xi32, #tpu.memory_space<vmem>>
      %dma_start3A_435 = tpu.memref_squeeze %dma_start3A_434 : memref<1x120xi32, #tpu.memory_space<vmem>> -> memref<120xi32, #tpu.memory_space<vmem>>
      %dma_start3A_436 = arith.constant 0 : i32
      %dma_start3A_437 = arith.constant 0 : i32
      %dma_start3A_438 = tpu.memref_slice %arg2[%dma_start3A_436, %dma_start3A_437] : memref<10000x128xf32, #tpu.memory_space<hbm>> -> memref<10000x128xf32, #tpu.memory_space<hbm>>
      tpu.enqueue_indirect_dma source(%dma_start3A_438 : memref<10000x128xf32, #tpu.memory_space<hbm>>) target(%arg7 : memref<120x128xf32, #tpu.memory_space<vmem>>) offsets(%dma_start3A_435 : memref<120xi32, #tpu.memory_space<vmem>>) semaphore(%arg17 : memref<!tpu.dma_semaphore, #tpu.memory_space<semaphore_mem>>)
      %add3A_439 = arith.constant 5 : i32
      %add3A_440 = arith.addi %mul3A_185, %add3A_439 : i32
      %dma_wait3A_441 = arith.constant 0 : i32
      %dma_wait3A_442 = arith.constant 0 : i32
      %dma_wait3A_443 = tpu.memref_slice %arg14[%dma_wait3A_441, %dma_wait3A_442] : memref<2x120xi32, #tpu.memory_space<vmem>> -> memref<1x120xi32, #tpu.memory_space<vmem>>
      %dma_wait3A_444 = tpu.memref_squeeze %dma_wait3A_443 : memref<1x120xi32, #tpu.memory_space<vmem>> -> memref<120xi32, #tpu.memory_space<vmem>>
      %dma_wait3A_445 = arith.constant 0 : i32
      %dma_wait3A_446 = arith.constant 0 : i32
      %dma_wait3A_447 = tpu.memref_slice %arg2[%dma_wait3A_445, %dma_wait3A_446] : memref<10000x128xf32, #tpu.memory_space<hbm>> -> memref<10000x128xf32, #tpu.memory_space<hbm>>
      tpu.wait_indirect_dma semaphore(%arg18 : memref<!tpu.dma_semaphore, #tpu.memory_space<semaphore_mem>>) src(%dma_wait3A_447 : memref<10000x128xf32, #tpu.memory_space<hbm>>) dst(%arg8 : memref<120x128xf32, #tpu.memory_space<vmem>>)
      %dma_start3A_448 = arith.constant 1 : i32
      %dma_start3A_449 = arith.constant 0 : i32
      %dma_start3A_450 = tpu.memref_slice %arg14[%dma_start3A_448, %dma_start3A_449] : memref<2x120xi32, #tpu.memory_space<vmem>> -> memref<1x120xi32, #tpu.memory_space<vmem>>
      %dma_start3A_451 = tpu.memref_squeeze %dma_start3A_450 : memref<1x120xi32, #tpu.memory_space<vmem>> -> memref<120xi32, #tpu.memory_space<vmem>>
      %dma_start3A_452 = arith.constant 0 : i32
      %dma_start3A_453 = arith.constant 0 : i32
      %dma_start3A_454 = tpu.memref_slice %arg15[%dma_start3A_452, %dma_start3A_453] : memref<10112x128xf32, #tpu.memory_space<vmem_shared>> -> memref<10112x128xf32, #tpu.memory_space<vmem_shared>>
      tpu.enqueue_indirect_dma source(%arg8 : memref<120x128xf32, #tpu.memory_space<vmem>>) target(%dma_start3A_454 : memref<10112x128xf32, #tpu.memory_space<vmem_shared>>) offsets(%dma_start3A_451 : memref<120xi32, #tpu.memory_space<vmem>>) semaphore(%arg21 : memref<!tpu.dma_semaphore, #tpu.memory_space<semaphore_mem>>) {add = true}
      %dma_wait3A_455 = arith.constant 1 : i32
      %dma_wait3A_456 = arith.constant 0 : i32
      %dma_wait3A_457 = tpu.memref_slice %arg14[%dma_wait3A_455, %dma_wait3A_456] : memref<2x120xi32, #tpu.memory_space<vmem>> -> memref<1x120xi32, #tpu.memory_space<vmem>>
      %dma_wait3A_458 = tpu.memref_squeeze %dma_wait3A_457 : memref<1x120xi32, #tpu.memory_space<vmem>> -> memref<120xi32, #tpu.memory_space<vmem>>
      %dma_wait3A_459 = arith.constant 0 : i32
      %dma_wait3A_460 = arith.constant 0 : i32
      %dma_wait3A_461 = tpu.memref_slice %arg15[%dma_wait3A_459, %dma_wait3A_460] : memref<10112x128xf32, #tpu.memory_space<vmem_shared>> -> memref<10112x128xf32, #tpu.memory_space<vmem_shared>>
      tpu.wait_indirect_dma semaphore(%arg21 : memref<!tpu.dma_semaphore, #tpu.memory_space<semaphore_mem>>) src(%arg8 : memref<120x128xf32, #tpu.memory_space<vmem>>) dst(%dma_wait3A_461 : memref<10112x128xf32, #tpu.memory_space<vmem_shared>>)
      %add3A_462 = arith.constant 6 : i32
      %add3A_463 = arith.addi %add3A_440, %add3A_462 : i32
      %sub3A_464 = arith.constant 1 : i32
      %sub3A_465 = arith.subi %select_n3A, %sub3A_464 : i32
      %min3A_466 = arith.minsi %add3A_463, %sub3A_465 : i32
      %dma_start3A_467 = arith.constant 0 : i32
      %dma_start3A_468 = arith.constant 0 : i32
      %dma_start3A_469 = tpu.memref_slice %arg3[%arg0, %arg1, %min3A_466, %dma_start3A_467, %dma_start3A_468] : memref<2x16x144x2x120xi32, #tpu.memory_space<hbm>> -> memref<1x1x1x2x120xi32, #tpu.memory_space<hbm>>
      %dma_start3A_470 = tpu.memref_squeeze %dma_start3A_469 : memref<1x1x1x2x120xi32, #tpu.memory_space<hbm>> -> memref<2x120xi32, #tpu.memory_space<hbm>>
      %dma_start3A_471 = arith.constant 0 : i32
      %dma_start3A_472 = arith.constant 0 : i32
      %dma_start3A_473 = tpu.memref_slice %arg3[%arg0, %arg1, %min3A_466, %dma_start3A_471, %dma_start3A_472] : memref<2x16x144x2x120xi32, #tpu.memory_space<hbm>> -> memref<1x1x1x2x120xi32, #tpu.memory_space<hbm>>
      %dma_start3A_474 = tpu.memref_squeeze %dma_start3A_473 : memref<1x1x1x2x120xi32, #tpu.memory_space<hbm>> -> memref<2x120xi32, #tpu.memory_space<hbm>>
      tpu.enqueue_dma source(%dma_start3A_474 : memref<2x120xi32, #tpu.memory_space<hbm>>) target(%arg14 : memref<2x120xi32, #tpu.memory_space<vmem>>) target_semaphore(%arg27 : memref<!tpu.dma_semaphore, #tpu.memory_space<semaphore_mem>>)
      %dma_wait3A_475 = arith.constant 0 : i32
      %dma_wait3A_476 = arith.constant 0 : i32
      %dma_wait3A_477 = tpu.memref_slice %arg3[%arg0, %arg1, %add3A_440, %dma_wait3A_475, %dma_wait3A_476] : memref<2x16x144x2x120xi32, #tpu.memory_space<hbm>> -> memref<1x1x1x2x120xi32, #tpu.memory_space<hbm>>
      %dma_wait3A_478 = tpu.memref_squeeze %dma_wait3A_477 : memref<1x1x1x2x120xi32, #tpu.memory_space<hbm>> -> memref<2x120xi32, #tpu.memory_space<hbm>>
      %dma_wait3A_479 = arith.constant 0 : i32
      %dma_wait3A_480 = arith.constant 0 : i32
      %dma_wait3A_481 = tpu.memref_slice %arg3[%arg0, %arg1, %add3A_440, %dma_wait3A_479, %dma_wait3A_480] : memref<2x16x144x2x120xi32, #tpu.memory_space<hbm>> -> memref<1x1x1x2x120xi32, #tpu.memory_space<hbm>>
      %dma_wait3A_482 = tpu.memref_squeeze %dma_wait3A_481 : memref<1x1x1x2x120xi32, #tpu.memory_space<hbm>> -> memref<2x120xi32, #tpu.memory_space<hbm>>
      tpu.wait_dma2 semaphore(%arg24 : memref<!tpu.dma_semaphore, #tpu.memory_space<semaphore_mem>>) src(%dma_wait3A_482 : memref<2x120xi32, #tpu.memory_space<hbm>>) dst(%arg11 : memref<2x120xi32, #tpu.memory_space<vmem>>)
      %dma_start3A_483 = arith.constant 0 : i32
      %dma_start3A_484 = arith.constant 0 : i32
      %dma_start3A_485 = tpu.memref_slice %arg11[%dma_start3A_483, %dma_start3A_484] : memref<2x120xi32, #tpu.memory_space<vmem>> -> memref<1x120xi32, #tpu.memory_space<vmem>>
      %dma_start3A_486 = tpu.memref_squeeze %dma_start3A_485 : memref<1x120xi32, #tpu.memory_space<vmem>> -> memref<120xi32, #tpu.memory_space<vmem>>
      %dma_start3A_487 = arith.constant 0 : i32
      %dma_start3A_488 = arith.constant 0 : i32
      %dma_start3A_489 = tpu.memref_slice %arg2[%dma_start3A_487, %dma_start3A_488] : memref<10000x128xf32, #tpu.memory_space<hbm>> -> memref<10000x128xf32, #tpu.memory_space<hbm>>
      tpu.enqueue_indirect_dma source(%dma_start3A_489 : memref<10000x128xf32, #tpu.memory_space<hbm>>) target(%arg8 : memref<120x128xf32, #tpu.memory_space<vmem>>) offsets(%dma_start3A_486 : memref<120xi32, #tpu.memory_space<vmem>>) semaphore(%arg18 : memref<!tpu.dma_semaphore, #tpu.memory_space<semaphore_mem>>)
    }
    %dma_wait3A_130 = arith.constant 0 : i32
    %dma_wait3A_131 = arith.constant 0 : i32
    %dma_wait3A_132 = tpu.memref_slice %arg9[%dma_wait3A_130, %dma_wait3A_131] : memref<2x120xi32, #tpu.memory_space<vmem>> -> memref<1x120xi32, #tpu.memory_space<vmem>>
    %dma_wait3A_133 = tpu.memref_squeeze %dma_wait3A_132 : memref<1x120xi32, #tpu.memory_space<vmem>> -> memref<120xi32, #tpu.memory_space<vmem>>
    %dma_wait3A_134 = arith.constant 0 : i32
    %dma_wait3A_135 = arith.constant 0 : i32
    %dma_wait3A_136 = tpu.memref_slice %arg2[%dma_wait3A_134, %dma_wait3A_135] : memref<10000x128xf32, #tpu.memory_space<hbm>> -> memref<10000x128xf32, #tpu.memory_space<hbm>>
    tpu.wait_indirect_dma semaphore(%arg16 : memref<!tpu.dma_semaphore, #tpu.memory_space<semaphore_mem>>) src(%dma_wait3A_136 : memref<10000x128xf32, #tpu.memory_space<hbm>>) dst(%arg6 : memref<120x128xf32, #tpu.memory_space<vmem>>)
    %dma_wait3A_137 = arith.constant 0 : i32
    %dma_wait3A_138 = arith.constant 0 : i32
    %dma_wait3A_139 = tpu.memref_slice %arg10[%dma_wait3A_137, %dma_wait3A_138] : memref<2x120xi32, #tpu.memory_space<vmem>> -> memref<1x120xi32, #tpu.memory_space<vmem>>
    %dma_wait3A_140 = tpu.memref_squeeze %dma_wait3A_139 : memref<1x120xi32, #tpu.memory_space<vmem>> -> memref<120xi32, #tpu.memory_space<vmem>>
    %dma_wait3A_141 = arith.constant 0 : i32
    %dma_wait3A_142 = arith.constant 0 : i32
    %dma_wait3A_143 = tpu.memref_slice %arg2[%dma_wait3A_141, %dma_wait3A_142] : memref<10000x128xf32, #tpu.memory_space<hbm>> -> memref<10000x128xf32, #tpu.memory_space<hbm>>
    tpu.wait_indirect_dma semaphore(%arg17 : memref<!tpu.dma_semaphore, #tpu.memory_space<semaphore_mem>>) src(%dma_wait3A_143 : memref<10000x128xf32, #tpu.memory_space<hbm>>) dst(%arg7 : memref<120x128xf32, #tpu.memory_space<vmem>>)
    %dma_wait3A_144 = arith.constant 0 : i32
    %dma_wait3A_145 = arith.constant 0 : i32
    %dma_wait3A_146 = tpu.memref_slice %arg11[%dma_wait3A_144, %dma_wait3A_145] : memref<2x120xi32, #tpu.memory_space<vmem>> -> memref<1x120xi32, #tpu.memory_space<vmem>>
    %dma_wait3A_147 = tpu.memref_squeeze %dma_wait3A_146 : memref<1x120xi32, #tpu.memory_space<vmem>> -> memref<120xi32, #tpu.memory_space<vmem>>
    %dma_wait3A_148 = arith.constant 0 : i32
    %dma_wait3A_149 = arith.constant 0 : i32
    %dma_wait3A_150 = tpu.memref_slice %arg2[%dma_wait3A_148, %dma_wait3A_149] : memref<10000x128xf32, #tpu.memory_space<hbm>> -> memref<10000x128xf32, #tpu.memory_space<hbm>>
    tpu.wait_indirect_dma semaphore(%arg18 : memref<!tpu.dma_semaphore, #tpu.memory_space<semaphore_mem>>) src(%dma_wait3A_150 : memref<10000x128xf32, #tpu.memory_space<hbm>>) dst(%arg8 : memref<120x128xf32, #tpu.memory_space<vmem>>)
    %dma_wait3A_151 = arith.constant 0 : i32
    %dma_wait3A_152 = arith.constant 0 : i32
    %dma_wait3A_153 = arith.constant 0 : i32
    %dma_wait3A_154 = tpu.memref_slice %arg3[%arg0, %arg1, %dma_wait3A_151, %dma_wait3A_152, %dma_wait3A_153] : memref<2x16x144x2x120xi32, #tpu.memory_space<hbm>> -> memref<1x1x1x2x120xi32, #tpu.memory_space<hbm>>
    %dma_wait3A_155 = tpu.memref_squeeze %dma_wait3A_154 : memref<1x1x1x2x120xi32, #tpu.memory_space<hbm>> -> memref<2x120xi32, #tpu.memory_space<hbm>>
    %dma_wait3A_156 = arith.constant 0 : i32
    %dma_wait3A_157 = arith.constant 0 : i32
    %dma_wait3A_158 = tpu.memref_slice %arg3[%arg0, %arg1, %dma_wait3A_151, %dma_wait3A_156, %dma_wait3A_157] : memref<2x16x144x2x120xi32, #tpu.memory_space<hbm>> -> memref<1x1x1x2x120xi32, #tpu.memory_space<hbm>>
    %dma_wait3A_159 = tpu.memref_squeeze %dma_wait3A_158 : memref<1x1x1x2x120xi32, #tpu.memory_space<hbm>> -> memref<2x120xi32, #tpu.memory_space<hbm>>
    tpu.wait_dma2 semaphore(%arg25 : memref<!tpu.dma_semaphore, #tpu.memory_space<semaphore_mem>>) src(%dma_wait3A_159 : memref<2x120xi32, #tpu.memory_space<hbm>>) dst(%arg12 : memref<2x120xi32, #tpu.memory_space<vmem>>)
    %dma_wait3A_160 = arith.constant 0 : i32
    %dma_wait3A_161 = arith.constant 0 : i32
    %dma_wait3A_162 = arith.constant 0 : i32
    %dma_wait3A_163 = tpu.memref_slice %arg3[%arg0, %arg1, %dma_wait3A_160, %dma_wait3A_161, %dma_wait3A_162] : memref<2x16x144x2x120xi32, #tpu.memory_space<hbm>> -> memref<1x1x1x2x120xi32, #tpu.memory_space<hbm>>
    %dma_wait3A_164 = tpu.memref_squeeze %dma_wait3A_163 : memref<1x1x1x2x120xi32, #tpu.memory_space<hbm>> -> memref<2x120xi32, #tpu.memory_space<hbm>>
    %dma_wait3A_165 = arith.constant 0 : i32
    %dma_wait3A_166 = arith.constant 0 : i32
    %dma_wait3A_167 = tpu.memref_slice %arg3[%arg0, %arg1, %dma_wait3A_160, %dma_wait3A_165, %dma_wait3A_166] : memref<2x16x144x2x120xi32, #tpu.memory_space<hbm>> -> memref<1x1x1x2x120xi32, #tpu.memory_space<hbm>>
    %dma_wait3A_168 = tpu.memref_squeeze %dma_wait3A_167 : memref<1x1x1x2x120xi32, #tpu.memory_space<hbm>> -> memref<2x120xi32, #tpu.memory_space<hbm>>
    tpu.wait_dma2 semaphore(%arg26 : memref<!tpu.dma_semaphore, #tpu.memory_space<semaphore_mem>>) src(%dma_wait3A_168 : memref<2x120xi32, #tpu.memory_space<hbm>>) dst(%arg13 : memref<2x120xi32, #tpu.memory_space<vmem>>)
    %dma_wait3A_169 = arith.constant 0 : i32
    %dma_wait3A_170 = arith.constant 0 : i32
    %dma_wait3A_171 = arith.constant 0 : i32
    %dma_wait3A_172 = tpu.memref_slice %arg3[%arg0, %arg1, %dma_wait3A_169, %dma_wait3A_170, %dma_wait3A_171] : memref<2x16x144x2x120xi32, #tpu.memory_space<hbm>> -> memref<1x1x1x2x120xi32, #tpu.memory_space<hbm>>
    %dma_wait3A_173 = tpu.memref_squeeze %dma_wait3A_172 : memref<1x1x1x2x120xi32, #tpu.memory_space<hbm>> -> memref<2x120xi32, #tpu.memory_space<hbm>>
    %dma_wait3A_174 = arith.constant 0 : i32
    %dma_wait3A_175 = arith.constant 0 : i32
    %dma_wait3A_176 = tpu.memref_slice %arg3[%arg0, %arg1, %dma_wait3A_169, %dma_wait3A_174, %dma_wait3A_175] : memref<2x16x144x2x120xi32, #tpu.memory_space<hbm>> -> memref<1x1x1x2x120xi32, #tpu.memory_space<hbm>>
    %dma_wait3A_177 = tpu.memref_squeeze %dma_wait3A_176 : memref<1x1x1x2x120xi32, #tpu.memory_space<hbm>> -> memref<2x120xi32, #tpu.memory_space<hbm>>
    tpu.wait_dma2 semaphore(%arg27 : memref<!tpu.dma_semaphore, #tpu.memory_space<semaphore_mem>>) src(%dma_wait3A_177 : memref<2x120xi32, #tpu.memory_space<hbm>>) dst(%arg14 : memref<2x120xi32, #tpu.memory_space<vmem>>)
    %barrier3A_178 = arith.constant 0 : index
    tpu.barrier barrier_id(%barrier3A_178)
    %mul3A_179 = arith.constant 632 : i32
    %mul3A_180 = arith.muli %arg1, %mul3A_179 : i32
    "tpu.region"() ({
      %run_scoped3A = tpu.sem_alloc : memref<!tpu.dma_semaphore, #tpu.memory_space<semaphore_mem>>
      %dma_start3A_181 = arith.constant 0 : i32
      %dma_start3A_182 = tpu.memref_slice %arg5[%arg0, %mul3A_180, %dma_start3A_181] : memref<2x10112x128xf32, #tpu.memory_space<hbm>> -> memref<1x632x128xf32, #tpu.memory_space<hbm>>
      %dma_start3A_183 = tpu.memref_squeeze %dma_start3A_182 : memref<1x632x128xf32, #tpu.memory_space<hbm>> -> memref<632x128xf32, #tpu.memory_space<hbm>>
      %dma_start3A_184 = arith.constant 0 : i32
      %dma_start3A_185 = tpu.memref_slice %arg15[%mul3A_180, %dma_start3A_184] : memref<10112x128xf32, #tpu.memory_space<vmem_shared>> -> memref<632x128xf32, #tpu.memory_space<vmem_shared>>
      tpu.enqueue_dma source(%dma_start3A_185 : memref<632x128xf32, #tpu.memory_space<vmem_shared>>) target(%dma_start3A_183 : memref<632x128xf32, #tpu.memory_space<hbm>>) target_semaphore(%run_scoped3A : memref<!tpu.dma_semaphore, #tpu.memory_space<semaphore_mem>>)
      %dma_wait3A_186 = arith.constant 0 : i32
      %dma_wait3A_187 = tpu.memref_slice %arg5[%arg0, %mul3A_180, %dma_wait3A_186] : memref<2x10112x128xf32, #tpu.memory_space<hbm>> -> memref<1x632x128xf32, #tpu.memory_space<hbm>>
      %dma_wait3A_188 = tpu.memref_squeeze %dma_wait3A_187 : memref<1x632x128xf32, #tpu.memory_space<hbm>> -> memref<632x128xf32, #tpu.memory_space<hbm>>
      %dma_wait3A_189 = arith.constant 0 : i32
      %dma_wait3A_190 = tpu.memref_slice %arg15[%mul3A_180, %dma_wait3A_189] : memref<10112x128xf32, #tpu.memory_space<vmem_shared>> -> memref<632x128xf32, #tpu.memory_space<vmem_shared>>
      tpu.wait_dma2 semaphore(%run_scoped3A : memref<!tpu.dma_semaphore, #tpu.memory_space<semaphore_mem>>) src(%dma_wait3A_190 : memref<632x128xf32, #tpu.memory_space<vmem_shared>>) dst(%dma_wait3A_188 : memref<632x128xf32, #tpu.memory_space<hbm>>)
      tpu.yield
    }) : () -> ()
    return
  }
}

module attributes {stable_mosaic.version = 14 : i64} {
  func.func @body(%arg0: i32, %arg1: memref<2x400x128xf32, #tpu.memory_space<vmem>>, %arg2: memref<128x128xf32, #tpu.memory_space<vmem>>, %arg3: memref<1x128xf32, #tpu.memory_space<vmem>>, %arg4: memref<400x128xf32, #tpu.memory_space<vmem>>) attributes {dimension_semantics = [#tpu.dimension_semantics<arbitrary>], iteration_bounds = array<i64: 25>, scalar_prefetch = 0 : i64, scratch_operands = 0 : i64, tpu.core_type = #tpu.core_type<tc>, window_params = [{transform_indices = @transform_0, window_bounds = array<i64: 2, 400, 128>}, {pipeline_mode = #tpu.pipeline_mode<synchronous>, transform_indices = @transform_1, window_bounds = array<i64: 128, 128>}, {pipeline_mode = #tpu.pipeline_mode<synchronous>, transform_indices = @transform_2, window_bounds = array<i64: 1, 128>}, {transform_indices = @transform_3, window_bounds = array<i64: 400, 128>}]} {
    %get3A = arith.constant 0 : index
    %get3A_0 = arith.constant 0 : index
    %get3A_1 = arith.constant 0 : index
    %get3A_2 = vector.load %arg1[%get3A, %get3A_0, %get3A_1] : memref<2x400x128xf32, #tpu.memory_space<vmem>>, vector<1x400x128xf32>
    %get3A_3 = vector.shape_cast %get3A_2 : vector<1x400x128xf32> to vector<400x128xf32>
    %get3A_4 = arith.constant 1 : index
    %get3A_5 = arith.constant 0 : index
    %get3A_6 = arith.constant 0 : index
    %get3A_7 = vector.load %arg1[%get3A_4, %get3A_5, %get3A_6] : memref<2x400x128xf32, #tpu.memory_space<vmem>>, vector<1x400x128xf32>
    %get3A_8 = vector.shape_cast %get3A_7 : vector<1x400x128xf32> to vector<400x128xf32>
    %add3A = arith.addf %get3A_3, %get3A_8 : vector<400x128xf32>
    %get3A_9 = arith.constant 0 : index
    %get3A_10 = arith.constant 0 : index
    %get3A_11 = vector.load %arg2[%get3A_9, %get3A_10] : memref<128x128xf32, #tpu.memory_space<vmem>>, vector<128x128xf32>
    %dot_general3A = arith.constant dense<0.000000e+00> : vector<400x128xf32>
    %dot_general3A_12 = tpu.matmul %add3A, %get3A_11, %dot_general3A {dimension_numbers = #tpu.dot_dimension_numbers<[1], [0], [0], [1], [0, 0, 1, 1], [], []>, transpose_lhs_hint = false} : vector<400x128xf32>, vector<128x128xf32>, vector<400x128xf32> -> vector<400x128xf32>
    %get3A_13 = arith.constant 0 : index
    %get3A_14 = arith.constant 0 : index
    %get3A_15 = vector.load %arg3[%get3A_13, %get3A_14] : memref<1x128xf32, #tpu.memory_space<vmem>>, vector<1x128xf32>
    %add3A_16 = vector.broadcast %get3A_15 : vector<1x128xf32> to vector<400x128xf32>
    %add3A_17 = arith.addf %dot_general3A_12, %add3A_16 : vector<400x128xf32>
    %swap3A = arith.constant 0 : index
    %swap3A_18 = arith.constant 0 : index
    %swap3A_19 = vector.load %arg4[%swap3A, %swap3A_18] : memref<400x128xf32, #tpu.memory_space<vmem>>, vector<400x128xf32>
    tpu.vector_store %arg4[%swap3A, %swap3A_18], %add3A_17 {strides = array<i32>} : memref<400x128xf32, #tpu.memory_space<vmem>>, vector<400x128xf32>,
    return
  }
  func.func @transform_0(%arg0: i32) -> (i32, i32, i32) {
    %c0_i32 = arith.constant 0 : i32
    %c0_i32_0 = arith.constant 0 : i32
    %c0_i32_1 = arith.constant 0 : i32
    return %c0_i32, %arg0, %c0_i32_0 : i32, i32, i32
  }
  func.func @transform_1(%arg0: i32) -> (i32, i32) {
    %c0_i32 = arith.constant 0 : i32
    %c0_i32_0 = arith.constant 0 : i32
    %c0_i32_1 = arith.constant 0 : i32
    return %c0_i32, %c0_i32_0 : i32, i32
  }
  func.func @transform_2(%arg0: i32) -> (i32, i32) {
    %c0_i32 = arith.constant 0 : i32
    %c0_i32_0 = arith.constant 0 : i32
    %c0_i32_1 = arith.constant 0 : i32
    return %c0_i32, %c0_i32_0 : i32, i32
  }
  func.func @transform_3(%arg0: i32) -> (i32, i32) {
    %c0_i32 = arith.constant 0 : i32
    %c0_i32_0 = arith.constant 0 : i32
    return %arg0, %c0_i32 : i32, i32
  }
}

</mosaic_0001>

<sc_bundles>
// kernel: kernel.4.cloned.1.call-start
scs
__scs_entry_jumppad:
0x0: {  	(pc) =	sbr.rel $0x88, $3  }
0x1: {  	(tag) =	ssettag $0x0;
	lr =	simm.s32 $0x1  }
0x2: {  	[smem:$0x3F9D] =	sst lr;
	_ =	strace $0xD0000000  }
0x3: {  	_ = 	snop  }
0x4: {  	_ = 	snop  }
0x5: {  	_ = 	snop  }
0x6: {  	_ = 	snop  }
0x7: {  	_ = 	snop  }
__scs_overlays_trampoline_lowered:
0x8: {  	[smem:$0x3FAC] =	sst s0  }
0x9: {  	[smem:$0x3FAD] =	sst s1  }
0xa: {  	[smem:$0x3FAE] =	sst s2  }
0xb: {  	[smem:$0x3FAF] =	sst s3  }
0xc: {  	[smem:$0x3FB0] =	sst s4  }
0xd: {  	[smem:$0x3FB1] =	sst s5  }
0xe: {  	[smem:$0x3FB2] =	sst s6  }
0xf: {  	[smem:$0x3FB3] =	sst s7  }
0x10: {  	[smem:$0x3FB4] =	sst s8  }
0x11: {  	[smem:$0x3FB5] =	sst s9;
	s0 =	simm.s32 @!p0 $0x0  }
0x12: {  	s1 =	sld [smem:$0x3F9B];
	s0 =	simm.s32 @p0 $0x1  }
0x13: {  	[smem:$0x3FB6] =	sst s0;
	s0 =	simm.s32 @!p1 $0x0  }
0x14: {  	s2 =	sld [smem:$0x3F9A];
	s0 =	simm.s32 @p1 $0x1  }
0x15: {  	[smem:$0x3FB7] =	sst s0;
	s0 =	simm.s32 @!p2 $0x0  }
0x16: {  	s3 =	sld [smem:$0x3FDB];
	s0 =	simm.s32 @p2 $0x1  }
0x17: {  	s4 =	simm.s32 $0x1BF5;
	[smem:$0x3FB9] =	sst s0  }
0x18: {  	s0 =	sld [smem:$0x3F9C];
	_ =	swait.ge [sflag:s4], $0x0  }
0x19: {  	s7 =	sld [smem:$0x3F9D]  }
0x1a: {  	s8 =	sadd.s32 $0xFFFFE003, lr  }
0x1b: {  	s9 =	sadd.s32 $0xFFFFFEF7, lr;
	s5 =	simm.s32 $0xFFFFFFFF;
	p2 =	slt.u32 s8, $0xFFFFF086  }
0x1c: {  	p1 =	slt.u32 s9, $0xF7A;
	s5 =	simm.s32 @!p2 $0x0  }
0x1d: {  	s5 =	simm.s32 @p1 $0x1;
	p0 =	seq.s32 s7, s2  }
0x1e: {  	s7 =	smul.u32 @!p0 $0xF7A, s2;
	p2 =	seq.s32 @!p0 s5, $0x0  }
0x1f: {  	s9 =	smul.u32 $0xF7A, s1;
	s8 =	simm.s32 @!p0 $0x1BF5;
	p2 =	por !p2, p0  }
0x20: {  	[sflag:s8] =	ssyncset.s32 @!p0 $0xFFFFF086;
	s6 =	sadd.s32 @!p0 s3, s7;
	s7 =	simm.s32 @!p0 $0x108  }
0x21: {  	s3 =	sadd.s32 s3, s9;
	s6 =	sadd.s32 @!p0 $0x88, s6;
	s7 =	simm.s32 @p2 $0x1082  }
0x22: {  	[simem:s7], [sflag:s8] =	dma.local @!p0 [hbm:s6], $0xF7A  }
0x23: {  	s9 =	sor.u32 $0xD0000000, s2;
	s6 =	simm.s32 $0x108;
	_ =	swait.ge @!p0 [sflag:s8], $0x0  }
0x24: {  	s3 =	sadd.s32 $0x88, s3;
	s6 =	simm.s32 @!p1 $0x1082;
	[sflag:s4] =	ssyncset.s32 $0xFFFFF086  }
0x25: {  	[simem:s6], [sflag:s4] =	dma.local [hbm:s3], $0xF7A  }
0x26: {  	[smem:$0x3F9D] =	sst s1;
	(tag) =	ssettag s2;
	_ =	strace s9  }
0x27: {  	s1 =	sld [smem:$0x3FAD]  }
0x28: {  	s2 =	sld [smem:$0x3FAE]  }
0x29: {  	s4 =	sld [smem:$0x3FB0]  }
0x2a: {  	p0 =	seq.s32 s5, $0x0;
	s5 =	sld [smem:$0x3FB1]  }
0x2b: {  	s6 =	sld [smem:$0x3FB2]  }
0x2c: {  	s7 =	sld [smem:$0x3FB3]  }
0x2d: {  	s3 =	simm.s32 $0x108;
	s8 =	sld [smem:$0x3FB4]  }
0x2e: {  	s3 =	simm.s32 @!p0 $0x1082;
	s9 =	sld [smem:$0x3FB5]  }
0x2f: {  	lr =	sadd.s32 s0, s3;
	s0 =	sld [smem:$0x3FAC]  }
0x30: {  	s3 =	sld [smem:$0x3FAF]  }
0x31: {  	[smem:$0x3FB8] =	sst s10  }
0x32: {  	s10 =	sld [smem:$0x3FB6];
	_ =	sdelay $0x3  }
0x33: {  	p0 =	seq.s32 s10, $0x1;
	s10 =	sld [smem:$0x3FB8];
	_ =	sdelay $0x3  }
0x34: {  	[smem:$0x3FB8] =	sst s10  }
0x35: {  	s10 =	sld [smem:$0x3FB7];
	_ =	sdelay $0x3  }
0x36: {  	p1 =	seq.s32 s10, $0x1;
	s10 =	sld [smem:$0x3FB8];
	_ =	sdelay $0x3  }
0x37: {  	[smem:$0x3FB8] =	sst s10  }
0x38: {  	s10 =	sld [smem:$0x3FB9]  }
0x39: {  	_ = 	snop;
	(pc) =	sbr.ind lr, $3  }
0x3a: {  	_ = 	snop  }
0x3b: {  	_ = 	snop  }
0x3c: {  	p2 =	seq.s32 s10, $0x1;
	s10 =	sld [smem:$0x3FB8]  }
0x3d: {  	_ =	shalt  }
0x3e: {  	_ =	shalt  }
0x3f: {  	_ =	shalt  }
0x40: {  	_ =	shalt  }
0x41: {  	_ =	shalt  }
0x42: {  	_ =	shalt  }
0x43: {  	_ =	shalt  }
0x44: {  	_ =	shalt  }
0x45: {  	_ =	shalt  }
0x46: {  	_ =	shalt  }
0x47: {  	_ =	shalt  }
0x48: {  	_ =	shalt  }
0x49: {  	_ =	shalt  }
0x4a: {  	_ =	shalt  }
0x4b: {  	_ =	shalt  }
0x4c: {  	_ =	shalt  }
0x4d: {  	_ =	shalt  }
0x4e: {  	_ =	shalt  }
0x4f: {  	_ =	shalt  }
0x50: {  	_ =	shalt  }
0x51: {  	_ =	shalt  }
0x52: {  	_ =	shalt  }
0x53: {  	_ =	shalt  }
0x54: {  	_ =	shalt  }
0x55: {  	_ =	shalt  }
0x56: {  	_ =	shalt  }
0x57: {  	_ =	shalt  }
0x58: {  	_ =	shalt  }
0x59: {  	_ =	shalt  }
0x5a: {  	_ =	shalt  }
0x5b: {  	_ =	shalt  }
0x5c: {  	_ =	shalt  }
0x5d: {  	_ =	shalt  }
0x5e: {  	_ =	shalt  }
0x5f: {  	_ =	shalt  }
0x60: {  	_ =	shalt  }
0x61: {  	_ =	shalt  }
0x62: {  	_ =	shalt  }
0x63: {  	_ =	shalt  }
0x64: {  	_ =	shalt  }
0x65: {  	_ =	shalt  }
0x66: {  	_ =	shalt  }
0x67: {  	_ =	shalt  }
0x68: {  	_ =	shalt  }
0x69: {  	_ =	shalt  }
0x6a: {  	_ =	shalt  }
0x6b: {  	_ =	shalt  }
0x6c: {  	_ =	shalt  }
0x6d: {  	_ =	shalt  }
0x6e: {  	_ =	shalt  }
0x6f: {  	_ =	shalt  }
0x70: {  	_ =	shalt  }
0x71: {  	_ =	shalt  }
0x72: {  	_ =	shalt  }
0x73: {  	_ =	shalt  }
0x74: {  	_ =	shalt  }
0x75: {  	_ =	shalt  }
0x76: {  	_ =	shalt  }
0x77: {  	_ =	shalt  }
0x78: {  	_ =	shalt  }
0x79: {  	_ =	shalt  }
0x7a: {  	_ =	shalt  }
0x7b: {  	_ =	shalt  }
0x7c: {  	_ =	shalt  }
0x7d: {  	_ =	shalt  }
0x7e: {  	_ =	shalt  }
0x7f: {  	_ =	shalt  }
0x80: {  	_ =	shalt  }
0x81: {  	_ =	shalt  }
0x82: {  	_ =	shalt  }
0x83: {  	_ =	shalt  }
0x84: {  	_ =	shalt  }
0x85: {  	_ =	shalt  }
0x86: {  	_ =	shalt  }
0x87: {  	_ =	shalt  }
.Lfunc_end0:
.L_simem_size_0:
called_computation_lowered:
.L_overlay_start_0:
0x88: {  	s2 =	sld [smem:$0x3FD9]  }
0x89: {  	s3 =	sld [smem:$0x3FFE];
	_ =	sdelay $0x1  }
0x8a: {  	s1 =	srdreg.scid  }
0x8b: {  	s0 =	sand.u32 $0x1, s1  }
0x8c: {  	s17 =	sshll.u32 s0, $0xA;
	s2 =	sadd.s32 s3, s2  }
0x8d: {  	s2 =	sadd.s32 s2, s17  }
0x8e: {  	[smem:$0x3FC4] =	sst s2  }
0x8f: {  	_ = 	snop  }
0x90: {  	s2 =	sld [smem:$0x3FC9]  }
0x91: {  	s18 =	sld [smem:$0x3FD0];
	(tm) =	ssettm $0x1  }
0x92: {  	s4 =	sld [smem:$0x3FFB];
	_ =	sdelay $0x3  }
0x93: {  	_ =	strace s4  }
0x94: {  	s4 =	sld [smem:$0x3FFC];
	_ =	sdelay $0x3  }
0x95: {  	_ =	strace s4  }
0x96: {  	s4 =	sld [smem:$0x3FFD];
	_ =	sdelay $0x3  }
0x97: {  	_ =	strace s4  }
0x98: {  	_ =	strace $0x8FFFFFFF  }
0x99: {  	s19 =	sld [smem:$0x3FDB];
	_ =	sdelay $0x1  }
0x9a: {  	s5 =	simm.s32 $_scs_section_size  }
0x9b: {  	s6 =	simm.s32 $_size__tile_overlayer_lowered;
	s7 =	simm.s32 $_tile_overlayer_lowered  }
0x9c: {  	s22 =	simm.s32 $0x1BFF;
	s21 =	sshll.u32 s7, $0x1;
	s4 =	sadd.s32 s5, s19  }
0x9d: {  	s8 =	simm.s32 $0x0;
	s20 =	sshll.u32 s6, $0x1;
	s6 =	sadd.s32 s21, s4  }
0x9e: {  	[timem:s8], [sflag:s22] =	dma.local [hbm:s6], s20  }
0x9f: {  	_ =	swait.ge [sflag:s22], s20  }
0xa0: {  	s5 =	ssub.s32 $0x0, s20;
	[sflag:s22] =	ssyncset.done $0x0  }
0xa1: {  	[sflag:s22] =	ssyncadd.s32 s5;
	_ =	sdelay $0x1  }
0xa2: {  	s23 =	simm.s32 $0x1B8B  }
0xa3: {  	_ =	swait.ge [sflag:s23], $0x1  }
0xa4: {  	[sflag:s23] =	ssyncset.done $0x0  }
0xa5: {  	s25 =	simm.s32 $0x1B8E;
	s24 =	sld [smem:$0x3FFE];
	[sflag:s23] =	ssyncadd.s32 $0xFFFFFFFF  }
0xa6: {  	s26 =	simm.s32 $execute0_lowered;
	[smem:$0x3FD2] =	sst s25  }
0xa7: {  	s6 =	sshll.u32 s26, $0x1;
	_ =	strace $0x80000046;
	[dreg:$0x1] =	wrdreg $0xFFFFFFFF  }
0xa8: {  	s28 =	simm.s32 $_size_execute0_lowered;
	s4 =	sadd.s32 s4, s6;
	[dreg:$0x0] =	wrdreg $0x0  }
0xa9: {  	s6 =	sshll.u32 s28, $0x1;
	[dreg:$0x2] =	wrdreg s4  }
0xaa: {  	[dreg:$0x3] =	wrdreg s6  }
0xab: {  	[dreg:$0x4] =	wrdreg $0xC0  }
0xac: {  	_ =	task [dreg:s8], $0x5FFFF  }
0xad: {  	[dreg:$0x1] =	wrdreg $0xFFFFFFFF  }
0xae: {  	[dreg:$0x0] =	wrdreg $0x60  }
0xaf: {  	[dreg:$0x2] =	wrdreg s2  }
0xb0: {  	[dreg:$0x3] =	wrdreg s18  }
0xb1: {  	[dreg:$0x4] =	wrdreg s24  }
0xb2: {  	[dreg:$0x5] =	wrdreg $0xBA000  }
0xb3: {  	[dreg:$0x6] =	wrdreg $0x9  }
0xb4: {  	_ =	task.clear_ibuf [dreg:s8], $0x7FFFF;
	_ =	strace $0x90000046  }
0xb5: {  	s29 =	simm.s32 $0x9;
	_ =	strace $0x80000048  }
0xb6: {  	_ =	swait.ge [sflag:s29], $0x1  }
0xb7: {  	[sflag:s29] =	ssyncadd.s32 $0xFFFFFFFF  }
0xb8: {  	_ =	strace $0x90000048  }
0xb9: {  	_ =	sfence  }
0xba: {  	s30 =	sld [smem:$0x0];
	_ =	sdelay $0x2  }
0xbb: {  	s31 =	sshll.u32 s1, $0xD;
	s1 =	sshrl.u32 s1, $0x2  }
0xbc: {  	s3 =	sand.u32 $0x4000, s31;
	s1 =	sadd.s32 s1, s30  }
0xbd: {  	s0 =	sor.u32 s3, s0;
	s1 =	sshll.u32 s1, $0x11  }
0xbe: {  	s0 =	sor.u32 s1, s0  }
0xbf: {  	s0 =	sadd.s32 $0x8F2B, s0  }
0xc0: {  	[sflag:s0] =	ssyncadd.remote.s32 $0x1  }
0xc1: {  	_ =	sfence.sel $0xFFFF  }
0xc2: {  	[dreg:$0x0] =	wrdreg $0xFFFFFFFF;
	(pc) =	sbr.abs _section_cstart, $3  }
0xc3: {  	[dreg:$0x1] =	wrdreg $0xFFFFFFFF  }
0xc4: {  	_ =	task.clear_ibuf [dreg:s8], $0x2FFFF;
	_ =	strace $0x9FFFFFFF  }
0xc5: {  	(tm) =	ssettm $0x7FFFFFFF  }
tec
execute0_lowered:
.L_overlay_start_1:
0x0: {  	(tag) =	ssettag $0x1  }
0x1: {  	s1 =	rddreg [dreg:$0x0]  }
0x2: {  	s2 =	rddreg [dreg:$0x1]  }
0x3: {  	s0 =	rddreg [dreg:$0x2]  }
0x4: {  	s4 =	rddreg [dreg:$0x3]  }
0x5: {  	s3 =	srdreg.scid;
	s14 =	stileid.u32  }
0x6: {  	s5 =	simm.s32 $0x0;
	s21 =	simm.s32 $0xB480;
	s28 =	simm.s32 $0x78  }
0x7: {  	s29 =	simm.s32 $0x8;
	s30 =	simm.s32 $0x3C00;
	s7 =	smul.u32 $0x13C00, s14  }
0x8: {  	s31 =	simm.s32 $0x9;
	s3 =	sand.u32 $0x1, s3;
	s9 =	smul.u32 $0x4F000, s14  }
0x9: {  	[smem:$0x7FF] =	sst s5;
	s22 =	smul.u32 $0x9000, s14;
	s25 =	sshll.u32 s14, $0x6  }
0xa: {  	s6 =	smul.u32 $0x13C000, s3;
	_ =	strace $0x80000047;
	s8 =	ssub.s32 $0x2, s3  }
0xb: {  	s11 =	smul.u32 $0x90000, s3;
	p0 =	seq.s32 s3, $0x0;
	s3 =	simm.s32 $0x90  }
0xc: {  	s15 =	sor.u32 $0x1C0D, s25;
	[dreg:$0x6] =	wrdreg s21;
	s21 =	simm.s32 $0xB500  }
0xd: {  	s25 =	simm.s32 $0xB880;
	s10 =	sshrl.u32 s8, $0x1;
	s9 =	sshrl.u32 s9, $0x2  }
0xe: {  	s3 =	simm.s32 @!p0 $0x18;
	[dreg:$0xa] =	wrdreg s25;
	s25 =	simm.s32 $0xB900  }
0xf: {  	[dreg:$0xe] =	wrdreg s15;
	s6 =	sadd.s32 s7, s6;
	s13 =	ssub.s32 s8, s10  }
0x10: {  	s9 =	sadd.s32 s9, s4;
	s7 =	sshrl.u32 s7, $0x3;
	s24 =	smul.u32 $0xAB, s3  }
0x11: {  	s8 =	sadd.s32 $0xFFFFFFFF, s3;
	s3 =	simm.s32 $0x1;
	s6 =	sshrl.u32 s6, $0x3  }
0x12: {  	s20 =	smax.u32 s13, $0x1;
	s13 =	simm.s32 $0xB;
	s12 =	sadd.s32 s6, s0  }
0x13: {  	s6 =	sadd.s32 s22, s11;
	s0 =	sadd.s32 s0, s7;
	[dreg:$0x15] =	wrdreg s20  }
0x14: {  	s14 =	sshrl.u32 s24, $0xA;
	s22 =	simm.s32 $0xB580;
	[dreg:$0xc] =	wrdreg s0  }
0x15: {  	s20 =	simm.s32 $0xB400;
	s24 =	simm.s32 $0xB780;
	[dreg:$0x7] =	wrdreg s22  }
0x16: {  	s23 =	sshrl.u32 s6, $0x3;
	s19 =	sadd.s32 $0x27800, s12;
	[dreg:$0x9] =	wrdreg s24  }
0x17: {  	s0 =	smul.u32 $0x6, s14;
	s26 =	sadd.s32 s2, s23;
	[dreg:$0x14] =	wrdreg s19  }
0x18: {  	s11 =	simm.s32 $0x2;
	s22 =	simm.s32 $0xB600;
	[dreg:$0xd] =	wrdreg s26  }
0x19: {  	s24 =	simm.s32 $0xB800;
	s23 =	simm.s32 $0xB680;
	[dreg:$0x5] =	wrdreg s0  }
0x1a: {  	s12 =	simm.s32 $0x5;
	s10 =	sadd.s32 $0x20, s26;
	[dreg:$0x8] =	wrdreg s23  }
0x1b: {  	s14 =	simm.s32 $0x3;
	s16 =	sadd.s32 $0x40, s26;
	[dreg:$0xf] =	wrdreg s10  }
0x1c: {  	s19 =	simm.s32 $0xD;
	s17 =	sadd.s32 $0x60, s26;
	[dreg:$0x10] =	wrdreg s16  }
0x1d: {  	s18 =	sadd.s32 $0x80, s26;
	s7 =	sadd.s32 $0xA0, s26;
	[dreg:$0x11] =	wrdreg s17  }
0x1e: {  	s23 =	simm.s32 $0xB700;
	s26 =	simm.s32 $0xB980;
	[dreg:$0x12] =	wrdreg s18  }
0x1f: {  	s0 =	simm.s32 $0x7800;
	[dreg:$0x13] =	wrdreg s7;
	s18 =	sshrl.u32 s9, $0x3  }
0x20: {  	[dreg:$0xb] =	wrdreg s26;
	s26 =	simm.s32 $0x7;
	s9 =	simm.s32 $0x0  }
0x21: {  	s7 =	simm.s32 $0x4;
	s10 =	simm.s32 $0xA;
	[dreg:$0x17] =	wrdreg s9  }
0x22: {  	s16 =	simm.s32 $0x6;
	s17 =	simm.s32 $0xC;
	[dreg:$0x16] =	wrdreg s18  }
.LBB2_1:
0x23: {  	s9 =	rddreg [dreg:$0xc]  }
0x24: {  	[spmem:s18], [sflag:s15] =	dma.local [hbm:s9], $0x2780  }
0x25: {  	_ =	swait.ge [sflag:s19], $0x2780  }
0x26: {  	[sflag:s19] =	ssyncset.done $0x0  }
0x27: {  	[sflag:s19] =	ssyncadd.s32 $0xFFFFD880  }
0x28: {  	[bflag:$0x0] =	sbarrier.arrive $0xFFFF  }
0x29: {  	s15 =	rddreg [dreg:$0xd]  }
0x2a: {  	[tilespmem:s20], [sflag:$0x7] =	stream.linear.gather [hbm4b:s15+s5], $0x100, $0x38;
	[tilespmem:$0x1F600] =	vst v63  }
0x2b: {  	s18 =	rddreg [dreg:$0xf]  }
0x2c: {  	[tilespmem:s21], [sflag:$0x8] =	stream.linear.gather [hbm4b:s18+s5], $0x100, $0x38;
	[tilespmem:$0x1F600] =	vst v63  }
0x2d: {  	s19 =	rddreg [dreg:$0x10]  }
0x2e: {  	[tilespmem:s22], [sflag:$0x9] =	stream.linear.gather [hbm4b:s19+s5], $0x100, $0x38;
	[tilespmem:$0x1F600] =	vst v63  }
0x2f: {  	s15 =	rddreg [dreg:$0x11]  }
0x30: {  	[tilespmem:s23], [sflag:$0xA] =	stream.linear.gather [hbm4b:s15+s5], $0x100, $0x38;
	[tilespmem:$0x1F600] =	vst v63  }
0x31: {  	s18 =	rddreg [dreg:$0x12]  }
0x32: {  	[tilespmem:s24], [sflag:$0xB] =	stream.linear.gather [hbm4b:s18+s5], $0x100, $0x38;
	[tilespmem:$0x1F600] =	vst v63  }
0x33: {  	s19 =	rddreg [dreg:$0x13]  }
0x34: {  	[tilespmem:s25], [sflag:$0xC] =	stream.linear.gather [hbm4b:s19+s5], $0x100, $0x38;
	[tilespmem:$0x1F600] =	vst v63  }
0x35: {  	_ =	swait.ge [sflag:s26], $0x100  }
0x36: {  	[sflag:s26] =	ssyncset.done $0x0  }
0x37: {  	[sflag:s26] =	ssyncadd.s32 $0xFFFFFF00  }
0x38: {  	[tilespmem:s5], [sflag:$0x1] =	stream.indirect.gather [hbm4b:s1+s28], $0x80, s20, s28, $0xb8;
	[tilespmem:$0x1F600] =	vst v63  }
0x39: {  	_ =	swait.ge [sflag:s29], $0x100  }
0x3a: {  	[sflag:s29] =	ssyncset.done $0x0  }
0x3b: {  	[sflag:s29] =	ssyncadd.s32 $0xFFFFFF00  }
0x3c: {  	[tilespmem:s30], [sflag:$0x2] =	stream.indirect.gather [hbm4b:s1+s28], $0x80, s21, s28, $0xb8;
	[tilespmem:$0x1F600] =	vst v63  }
0x3d: {  	_ =	swait.ge [sflag:s31], $0x100  }
0x3e: {  	[sflag:s31] =	ssyncset.done $0x0  }
0x3f: {  	s9 =	simm.s32 $0x0;
	[sflag:s31] =	ssyncadd.s32 $0xFFFFFF00  }
0x40: {  	[tilespmem:s0], [sflag:$0x3] =	stream.indirect.gather [hbm4b:s1+s28], $0x80, s22, s28, $0xb8;
	[tilespmem:$0x1F600] =	vst v63  }
.LBB2_2:
0x41: {  	_ =	swait.ge [sflag:s3], $0x3C00  }
0x42: {  	[sflag:s3] =	ssyncset.done $0x0  }
0x43: {  	s18 =	rddreg [dreg:$0x6];
	[sflag:s3] =	ssyncadd.s32 $0xFFFFC400  }
0x44: {  	[spmem:s4] =	stream.indirect.scatter.add.f32 [tilespmem:s5], [sflag:$0x4], $0x80, s18, s28, $0xb8;
	[tilespmem:$0x1F600] =	vst v63  }
0x45: {  	s18 =	sadd.s32 $0x6, s9  }
0x46: {  	s15 =	smov.u32 s8;
	p0 =	slt.s32 s18, s8  }
0x47: {  	s15 =	smov.u32 @p0 s18  }
0x48: {  	s15 =	sshll.u32 s15, $0x8  }
0x49: {  	_ =	swait.ge [sflag:s7], $0x3C00;
	s15 =	sadd.s32 s6, s15  }
0x4a: {  	[sflag:s7] =	ssyncset.done $0x0;
	s15 =	sshrl.u32 s15, $0x3  }
0x4b: {  	[sflag:s7] =	ssyncadd.s32 $0xFFFFC400;
	s15 =	sadd.s32 s2, s15  }
0x4c: {  	[tilespmem:s20], [sflag:$0x7] =	stream.linear.gather [hbm4b:s15+s5], $0x100, $0x38;
	[tilespmem:$0x1F600] =	vst v63  }
0x4d: {  	_ =	swait.ge [sflag:s10], $0x100  }
0x4e: {  	[sflag:s10] =	ssyncset.done $0x0  }
0x4f: {  	[sflag:s10] =	ssyncadd.s32 $0xFFFFFF00  }
0x50: {  	[tilespmem:s5], [sflag:$0x1] =	stream.indirect.gather [hbm4b:s1+s28], $0x80, s23, s28, $0xb8;
	[tilespmem:$0x1F600] =	vst v63  }
0x51: {  	_ =	swait.ge [sflag:s11], $0x3C00  }
0x52: {  	[sflag:s11] =	ssyncset.done $0x0  }
0x53: {  	s15 =	sadd.s32 $0x7, s9;
	s19 =	rddreg [dreg:$0x7];
	[sflag:s11] =	ssyncadd.s32 $0xFFFFC400  }
0x54: {  	[spmem:s4] =	stream.indirect.scatter.add.f32 [tilespmem:s30], [sflag:$0x5], $0x80, s19, s28, $0xb8;
	[tilespmem:$0x1F600] =	vst v63  }
0x55: {  	p0 =	slt.s32 s15, s8;
	s19 =	smov.u32 s8  }
0x56: {  	s19 =	smov.u32 @p0 s15  }
0x57: {  	s15 =	sshll.u32 s19, $0x8  }
0x58: {  	_ =	swait.ge [sflag:s12], $0x3C00;
	s15 =	sadd.s32 s6, s15  }
0x59: {  	[sflag:s12] =	ssyncset.done $0x0;
	s15 =	sshrl.u32 s15, $0x3  }
0x5a: {  	[sflag:s12] =	ssyncadd.s32 $0xFFFFC400;
	s15 =	sadd.s32 s2, s15  }
0x5b: {  	[tilespmem:s21], [sflag:$0x8] =	stream.linear.gather [hbm4b:s15+s5], $0x100, $0x38;
	[tilespmem:$0x1F600] =	vst v63  }
0x5c: {  	_ =	swait.ge [sflag:s13], $0x100  }
0x5d: {  	[sflag:s13] =	ssyncset.done $0x0  }
0x5e: {  	[sflag:s13] =	ssyncadd.s32 $0xFFFFFF00  }
0x5f: {  	[tilespmem:s30], [sflag:$0x2] =	stream.indirect.gather [hbm4b:s1+s28], $0x80, s24, s28, $0xb8;
	[tilespmem:$0x1F600] =	vst v63  }
0x60: {  	_ =	swait.ge [sflag:s14], $0x3C00  }
0x61: {  	[sflag:s14] =	ssyncset.done $0x0  }
0x62: {  	s15 =	sadd.s32 $0x8, s9;
	s19 =	rddreg [dreg:$0x8];
	[sflag:s14] =	ssyncadd.s32 $0xFFFFC400  }
0x63: {  	[spmem:s4] =	stream.indirect.scatter.add.f32 [tilespmem:s0], [sflag:$0x6], $0x80, s19, s28, $0xb8;
	[tilespmem:$0x1F600] =	vst v63  }
0x64: {  	p0 =	slt.s32 s15, s8;
	s19 =	smov.u32 s8  }
0x65: {  	s19 =	smov.u32 @p0 s15  }
0x66: {  	s15 =	sshll.u32 s19, $0x8  }
0x67: {  	_ =	swait.ge [sflag:s16], $0x3C00;
	s15 =	sadd.s32 s6, s15  }
0x68: {  	[sflag:s16] =	ssyncset.done $0x0;
	s15 =	sshrl.u32 s15, $0x3  }
0x69: {  	[sflag:s16] =	ssyncadd.s32 $0xFFFFC400;
	s15 =	sadd.s32 s2, s15  }
0x6a: {  	[tilespmem:s22], [sflag:$0x9] =	stream.linear.gather [hbm4b:s15+s5], $0x100, $0x38;
	[tilespmem:$0x1F600] =	vst v63  }
0x6b: {  	_ =	swait.ge [sflag:s17], $0x100  }
0x6c: {  	[sflag:s17] =	ssyncset.done $0x0  }
0x6d: {  	[sflag:s17] =	ssyncadd.s32 $0xFFFFFF00  }
0x6e: {  	[tilespmem:s0], [sflag:$0x3] =	stream.indirect.gather [hbm4b:s1+s28], $0x80, s25, s28, $0xb8;
	[tilespmem:$0x1F600] =	vst v63  }
0x6f: {  	_ =	swait.ge [sflag:s3], $0x3C00  }
0x70: {  	[sflag:s3] =	ssyncset.done $0x0  }
0x71: {  	s15 =	sadd.s32 $0x9, s9;
	s19 =	rddreg [dreg:$0x9];
	[sflag:s3] =	ssyncadd.s32 $0xFFFFC400  }
0x72: {  	[spmem:s4] =	stream.indirect.scatter.add.f32 [tilespmem:s5], [sflag:$0x4], $0x80, s19, s28, $0xb8;
	[tilespmem:$0x1F600] =	vst v63  }
0x73: {  	p0 =	slt.s32 s15, s8;
	s19 =	smov.u32 s8  }
0x74: {  	s19 =	smov.u32 @p0 s15  }
0x75: {  	s15 =	sshll.u32 s19, $0x8  }
0x76: {  	_ =	swait.ge [sflag:s7], $0x3C00;
	s15 =	sadd.s32 s6, s15  }
0x77: {  	[sflag:s7] =	ssyncset.done $0x0;
	s15 =	sshrl.u32 s15, $0x3  }
0x78: {  	[sflag:s7] =	ssyncadd.s32 $0xFFFFC400;
	s15 =	sadd.s32 s2, s15  }
0x79: {  	[tilespmem:s23], [sflag:$0xA] =	stream.linear.gather [hbm4b:s15+s5], $0x100, $0x38;
	[tilespmem:$0x1F600] =	vst v63  }
0x7a: {  	_ =	swait.ge [sflag:s26], $0x100  }
0x7b: {  	[sflag:s26] =	ssyncset.done $0x0  }
0x7c: {  	[sflag:s26] =	ssyncadd.s32 $0xFFFFFF00  }
0x7d: {  	[tilespmem:s5], [sflag:$0x1] =	stream.indirect.gather [hbm4b:s1+s28], $0x80, s20, s28, $0xb8;
	[tilespmem:$0x1F600] =	vst v63  }
0x7e: {  	_ =	swait.ge [sflag:s11], $0x3C00  }
0x7f: {  	[sflag:s11] =	ssyncset.done $0x0  }
0x80: {  	s15 =	sadd.s32 $0xA, s9;
	s19 =	rddreg [dreg:$0xa];
	[sflag:s11] =	ssyncadd.s32 $0xFFFFC400  }
0x81: {  	[spmem:s4] =	stream.indirect.scatter.add.f32 [tilespmem:s30], [sflag:$0x5], $0x80, s19, s28, $0xb8;
	[tilespmem:$0x1F600] =	vst v63  }
0x82: {  	p0 =	slt.s32 s15, s8;
	s19 =	smov.u32 s8  }
0x83: {  	s19 =	smov.u32 @p0 s15  }
0x84: {  	s15 =	sshll.u32 s19, $0x8  }
0x85: {  	_ =	swait.ge [sflag:s12], $0x3C00;
	s15 =	sadd.s32 s6, s15  }
0x86: {  	[sflag:s12] =	ssyncset.done $0x0;
	s15 =	sshrl.u32 s15, $0x3  }
0x87: {  	[sflag:s12] =	ssyncadd.s32 $0xFFFFC400;
	s15 =	sadd.s32 s2, s15  }
0x88: {  	[tilespmem:s24], [sflag:$0xB] =	stream.linear.gather [hbm4b:s15+s5], $0x100, $0x38;
	[tilespmem:$0x1F600] =	vst v63  }
0x89: {  	_ =	swait.ge [sflag:s29], $0x100  }
0x8a: {  	[sflag:s29] =	ssyncset.done $0x0  }
0x8b: {  	s9 =	sadd.s32 $0xB, s9;
	[sflag:s29] =	ssyncadd.s32 $0xFFFFFF00  }
0x8c: {  	[tilespmem:s30], [sflag:$0x2] =	stream.indirect.gather [hbm4b:s1+s28], $0x80, s21, s28, $0xb8;
	[tilespmem:$0x1F600] =	vst v63  }
0x8d: {  	p0 =	slt.s32 s9, s8;
	s15 =	smov.u32 s8;
	_ =	swait.ge [sflag:s14], $0x3C00  }
0x8e: {  	s15 =	smov.u32 @p0 s9;
	[sflag:s14] =	ssyncset.done $0x0  }
0x8f: {  	s9 =	sshll.u32 s15, $0x8;
	s19 =	rddreg [dreg:$0xb];
	[sflag:s14] =	ssyncadd.s32 $0xFFFFC400  }
0x90: {  	[spmem:s4] =	stream.indirect.scatter.add.f32 [tilespmem:s0], [sflag:$0x6], $0x80, s19, s28, $0xb8;
	[tilespmem:$0x1F600] =	vst v63  }
0x91: {  	s9 =	sadd.s32 s6, s9;
	_ =	swait.ge [sflag:s16], $0x3C00  }
0x92: {  	s9 =	sshrl.u32 s9, $0x3;
	[sflag:s16] =	ssyncset.done $0x0  }
0x93: {  	s9 =	sadd.s32 s2, s9;
	[sflag:s16] =	ssyncadd.s32 $0xFFFFC400  }
0x94: {  	[tilespmem:s25], [sflag:$0xC] =	stream.linear.gather [hbm4b:s9+s5], $0x100, $0x38;
	[tilespmem:$0x1F600] =	vst v63  }
0x95: {  	_ =	swait.ge [sflag:s31], $0x100  }
0x96: {  	s19 =	rddreg [dreg:$0x5]  }
0x97: {  	p0 =	sne.s32 s19, s18  }
.Ltmp0:
0x98: {  	_ = 	snop;
	(pc) =	sbr.rel @p0 .LBB2_2-.Ltmp0, $4  }
0x99: {  	_ = 	snop  }
0x9a: {  	[sflag:s31] =	ssyncset.done $0x0  }
0x9b: {  	s9 =	smov.u32 s18;
	[sflag:s31] =	ssyncadd.s32 $0xFFFFFF00  }
0x9c: {  	[tilespmem:s0], [sflag:$0x3] =	stream.indirect.gather [hbm4b:s1+s28], $0x80, s22, s28, $0xb8;
	[tilespmem:$0x1F600] =	vst v63  }
0x9d: {  	_ =	swait.ge [sflag:s3], $0x3C00  }
0x9e: {  	[sflag:s3] =	ssyncset.done $0x0  }
0x9f: {  	[sflag:s3] =	ssyncadd.s32 $0xFFFFC400  }
0xa0: {  	_ =	swait.ge [sflag:s11], $0x3C00  }
0xa1: {  	[sflag:s11] =	ssyncset.done $0x0  }
0xa2: {  	[sflag:s11] =	ssyncadd.s32 $0xFFFFC400  }
0xa3: {  	_ =	swait.ge [sflag:s14], $0x3C00  }
0xa4: {  	[sflag:s14] =	ssyncset.done $0x0  }
0xa5: {  	[sflag:s14] =	ssyncadd.s32 $0xFFFFC400  }
0xa6: {  	_ =	swait.ge [sflag:s10], $0x100  }
0xa7: {  	[sflag:s10] =	ssyncset.done $0x0  }
0xa8: {  	[sflag:s10] =	ssyncadd.s32 $0xFFFFFF00  }
0xa9: {  	_ =	swait.ge [sflag:s13], $0x100  }
0xaa: {  	[sflag:s13] =	ssyncset.done $0x0  }
0xab: {  	[sflag:s13] =	ssyncadd.s32 $0xFFFFFF00  }
0xac: {  	_ =	swait.ge [sflag:s17], $0x100  }
0xad: {  	[sflag:s17] =	ssyncset.done $0x0  }
0xae: {  	[sflag:s17] =	ssyncadd.s32 $0xFFFFFF00  }
0xaf: {  	[bflag:$0x0] =	sbarrier.arrive $0xFFFF  }
0xb0: {  	s15 =	rddreg [dreg:$0xe]  }
0xb1: {  	s9 =	rddreg [dreg:$0x14]  }
0xb2: {  	s19 =	simm.s32 $0xD;
	s18 =	rddreg [dreg:$0x16]  }
0xb3: {  	[hbm:s9], [sflag:s15] =	dma.local [spmem:s18], $0x2780  }
0xb4: {  	_ =	swait.ge [sflag:s19], $0x2780  }
0xb5: {  	s9 =	rddreg [dreg:$0x17]  }
0xb6: {  	s15 =	sadd.s32 $0x1, s9;
	s9 =	rddreg [dreg:$0x15]  }
0xb7: {  	p0 =	sne.s32 s15, s9  }
.Ltmp1:
0xb8: {  	_ = 	snop;
	(pc) =	sbr.rel @p0 .LBB2_1-.Ltmp1, $3  }
0xb9: {  	_ =	sdelay $0x1  }
0xba: {  	[sflag:s19] =	ssyncset.done $0x0;
	[dreg:$0x17] =	wrdreg s15  }
0xbb: {  	[sflag:s19] =	ssyncadd.s32 $0xFFFFD880;
	s15 =	rddreg [dreg:$0xe]  }
0xbc: {  	_ =	sfence.sel $0x180000  }
0xbd: {  	[bflag:$0x0] =	sbarrier.arrive $0xFFFF  }
0xbe: {  	_ =	strace $0x90000047  }
0xbf: {  	s0 =	stileid.u32;
	[bflag:$0x2] =	sbarrier.arrive $0xFFFF  }
0xc0: {  	p0 =	sne.s32 s0, $0x0;
	s0 =	rddreg [dreg:$0x4]  }
0xc1: {  	s0 =	sadd.s32 @!p0 $0x100000, s0  }
0xc2: {  	[sflag:s0] =	ssyncadd.tile.s32 @!p0 $0x1;
	_ =	shalt  }
.Lfunc_end2:
_tile_overlayer_lowered:
.L_overlay_start_2:
0xc3: {  	(tag) =	ssettag $0x2  }
0xc4: {  	s0 =	rddreg [dreg:$0x0];
	s2 =	stileid.u32  }
0xc5: {  	s1 =	rddreg [dreg:$0x1];
	p0 =	sne.s32 s2, $0x0  }
0xc6: {  	s3 =	rddreg [dreg:$0x2];
	[bflag:$0x3] =	sbarrier.arrive $0xFFFF;
	s2 =	simm.s32 @!p0 $0x1C0D  }
0xc7: {  	[timem:s3], [sflag:s2] =	dma.local @!p0 [hbm:s0], s1  }
0xc8: {  	s0 =	simm.s32 @!p0 $0xD  }
0xc9: {  	_ =	swait.ge @!p0 [sflag:s0], s1  }
0xca: {  	s1 =	ssub.s32 @!p0 $0x0, s1;
	[sflag:s0] =	ssyncset.done @!p0 $0x0  }
0xcb: {  	[sflag:s0] =	ssyncadd.s32 @!p0 s1  }
0xcc: {  	[bflag:$0x3] =	sbarrier.arrive $0xFFFF  }
0xcd: {  	_ =	shalt  }

</sc_bundles>
